<compile_context>
chip_gen: v7x
topology: tpu7x:2x2x1
jax: 0.10.2.dev20260603
libtpu: 0.0.44.dev20260713+nightly
codegen_flags: <defaults>
</compile_context>

<pallas_src>
import functools

import jax
import jax.numpy as jnp
from jax import lax
from jax.experimental import pallas as pl
from jax.experimental.pallas import tpu as pltpu
from jax.experimental.pallas import tpu_sc as plsc

_THRESH = 0.01

_NC = 2
_NS = 16
_NW = _NC * _NS
_LANES = 16

_N = 2 * 4096 * 4096
_E = _N // _NW
_CHUNK = 16384
_ITERS = _E // _CHUNK


_UNROLL = 8


def _sc_partials(o_flat, t_flat, a_flat):
    mesh = plsc.VectorSubcoreMesh(
        core_axis_name="c", subcore_axis_name="s",
        num_cores=_NC, num_subcores=_NS)

    @functools.partial(
        pl.kernel,
        out_type=(
            jax.ShapeDtypeStruct((_NW, _LANES), jnp.float32),
            jax.ShapeDtypeStruct((_NW, _LANES), jnp.float32),
        ),
        mesh=mesh,
        scratch_types=[
            pltpu.VMEM((2, _CHUNK), jnp.float32),
            pltpu.VMEM((2, _CHUNK), jnp.float32),
            pltpu.VMEM((2, _CHUNK), jnp.float32),
            pltpu.VMEM((_LANES,), jnp.float32),
            pltpu.VMEM((_LANES,), jnp.float32),
            pltpu.SemaphoreType.DMA,
            pltpu.SemaphoreType.DMA,
        ],
    )
    def k(o_hbm, t_hbm, a_hbm, num_hbm, den_hbm,
          o_buf, t_buf, a_buf, num_stage, den_stage, sem0, sem1):
        wid = lax.axis_index("s") * _NC + lax.axis_index("c")
        base = wid * _E
        last_start = base + (_ITERS - 1) * _CHUNK

        def fire(chunk_idx, slot, sem):
            start = jnp.minimum(base + chunk_idx * _CHUNK, last_start)
            pltpu.async_copy(o_hbm.at[pl.ds(start, _CHUNK)], o_buf.at[slot], sem)
            pltpu.async_copy(t_hbm.at[pl.ds(start, _CHUNK)], t_buf.at[slot], sem)
            pltpu.async_copy(a_hbm.at[pl.ds(start, _CHUNK)], a_buf.at[slot], sem)

        def drain(slot, sem):
            pltpu.make_async_copy(o_hbm.at[pl.ds(base, _CHUNK)], o_buf.at[slot], sem).wait()
            pltpu.make_async_copy(t_hbm.at[pl.ds(base, _CHUNK)], t_buf.at[slot], sem).wait()
            pltpu.make_async_copy(a_hbm.at[pl.ds(base, _CHUNK)], a_buf.at[slot], sem).wait()

        def compute(slot, accs):
            o_s, t_s, a_s = o_buf.at[slot], t_buf.at[slot], a_buf.at[slot]

            def vec_block(i, accs):
                accs = list(accs)
                off = i * (_UNROLL * _LANES)
                for u in range(_UNROLL):
                    sl = pl.ds(off + u * _LANES, _LANES)
                    o = o_s[sl]
                    t = t_s[sl]
                    a = a_s[sl]
                    m = jnp.abs(a) > _THRESH
                    diff = o - t
                    n, d = accs[u]
                    n = n + jnp.where(m, diff * diff, 0.0)
                    d = d + jnp.where(m, 1.0, 0.0)
                    accs[u] = (n, d)
                return tuple(accs)

            return lax.fori_loop(
                0, _CHUNK // (_UNROLL * _LANES), vec_block, accs)

        zero = jnp.zeros((_LANES,), jnp.float32)
        accs = tuple((zero, zero) for _ in range(_UNROLL))
        fire(0, 0, sem0)

        def outer(j, accs):
            b = 2 * j
            fire(b + 1, 1, sem1)
            drain(0, sem0)
            accs = compute(0, accs)
            fire(b + 2, 0, sem0)
            drain(1, sem1)
            return compute(1, accs)

        accs = lax.fori_loop(0, _ITERS // 2, outer, accs)
        drain(0, sem0)

        num = functools.reduce(lambda x, y: x + y, [a[0] for a in accs])
        den = functools.reduce(lambda x, y: x + y, [a[1] for a in accs])
        num_stage[...] = num
        den_stage[...] = den
        pltpu.sync_copy(num_stage, num_hbm.at[wid])
        pltpu.sync_copy(den_stage, den_hbm.at[wid])

    return k(o_flat, t_flat, a_flat)


def _tc_combine(num_parts, den_parts):
    def body(num_ref, den_ref, out_ref):
        num = jnp.sum(num_ref[...])
        den = jnp.sum(den_ref[...])
        out_ref[0, 0] = num / den

    out = pl.pallas_call(
        body,
        out_shape=jax.ShapeDtypeStruct((1, 1), jnp.float32),
        out_specs=pl.BlockSpec(memory_space=pltpu.SMEM),
    )(num_parts, den_parts)
    return out[0, 0]


def kernel(output, target, analytic):
    o_flat = output.reshape(_N)
    t_flat = target.reshape(_N)
    a_flat = analytic.reshape(_N)
    num_parts, den_parts = _sc_partials(o_flat, t_flat, a_flat)
    return _tc_combine(num_parts, den_parts)

# --- scband reference (transcript-rebuilt; emitter-appended) ---
"""Pipeline reference for scband-loss-exclude-small-values-5153960755656 (READ-ONLY COPY).

The authoritative reference and input builder live on the scoring server;
editing this copy changes nothing except your own understanding.
"""

import jax, jax.numpy as jnp
import numpy as np

B_MIN = 0.01

def setup_inputs(seed: int = 0) -> dict:
    key = jax.random.key(seed)
    k1, k2, k3 = jax.random.split(key, 3)
    shape = (2, 4096, 4096)
    output = jax.random.normal(k1, shape, dtype=jnp.float32)
    target = jax.random.normal(k2, shape, dtype=jnp.float32)
    analytic = jax.random.normal(k3, shape, dtype=jnp.float32)
    return {"output": output, "target": target, "analytic": analytic}

def reference(output, target, analytic):
    # mask = torch.abs(analytic) > B_MIN; loss = MSELoss()(output[mask], target[mask])
    # MSELoss with default reduction='mean' over the selected elements is
    # equivalent to sum(mask * (output-target)^2) / sum(mask).
    mask = (jnp.abs(analytic) > B_MIN).astype(output.dtype)
    diff = output - target
    num = jnp.sum(mask * diff * diff)
    den = jnp.sum(mask)
    loss = num / den
    return loss

if __name__ == "__main__":
    import jax
    _d = setup_inputs()
    print(jax.jit(kernel)(*tuple(_d.values())))

</pallas_src>

<mosaic_0001>
#map = affine_map<(d0, d1) -> (0)>
#map1 = affine_map<(d0, d1) -> (0, 0)>
module attributes {stable_mosaic.version = 14 : i64} {
  func.func @k(%arg0: i32, %arg1: i32, %arg2: memref<33554432xf32, #tpu.memory_space<hbm>>, %arg3: memref<33554432xf32, #tpu.memory_space<hbm>>, %arg4: memref<33554432xf32, #tpu.memory_space<hbm>>, %arg5: memref<32x16xf32, #tpu.memory_space<hbm>>, %arg6: memref<32x16xf32, #tpu.memory_space<hbm>>, %arg7: memref<2x16384xf32, #tpu.memory_space<vmem>>, %arg8: memref<2x16384xf32, #tpu.memory_space<vmem>>, %arg9: memref<2x16384xf32, #tpu.memory_space<vmem>>, %arg10: memref<16xf32, #tpu.memory_space<vmem>>, %arg11: memref<16xf32, #tpu.memory_space<vmem>>, %arg12: memref<!tpu.dma_semaphore, #tpu.memory_space<semaphore_mem>>, %arg13: memref<!tpu.dma_semaphore, #tpu.memory_space<semaphore_mem>>) attributes {dimension_semantics = [#tpu.dimension_semantics<core_parallel>, #tpu.dimension_semantics<subcore_parallel>], iteration_bounds = array<i64: 2, 16>, scalar_prefetch = 0 : i64, scratch_operands = 7 : i64, tpu.core_type = #tpu.core_type<sc_vector_subcore>, window_params = [{transform_indices = #map}, {transform_indices = #map}, {transform_indices = #map}, {transform_indices = #map1}, {transform_indices = #map1}]} {
    %mul3A = arith.constant 2 : i32
    %mul3A_0 = arith.muli %arg1, %mul3A : i32
    %add3A = arith.addi %mul3A_0, %arg0 : i32
    %mul3A_1 = arith.constant 1048576 : i32
    %mul3A_2 = arith.muli %add3A, %mul3A_1 : i32
    %add3A_3 = arith.constant 1032192 : i32
    %add3A_4 = arith.addi %mul3A_2, %add3A_3 : i32
    %broadcast_in_dim3A = arith.constant 0.000000e+00 : f32
    %broadcast_in_dim3A_5 = vector.broadcast %broadcast_in_dim3A : f32 to vector<16xf32>
    %add3A_6 = arith.constant 0 : i32
    %add3A_7 = arith.addi %mul3A_2, %add3A_6 : i32
    %min3A = arith.minsi %add3A_7, %add3A_4 : i32
    %dma_start3A = arith.constant 0 : i32
    %dma_start3A_8 = arith.constant 0 : i32
    %dma_start3A_9 = tpu.memref_slice %arg7[%dma_start3A, %dma_start3A_8] : memref<2x16384xf32, #tpu.memory_space<vmem>> -> memref<1x16384xf32, #tpu.memory_space<vmem>>
    %dma_start3A_10 = tpu.memref_squeeze %dma_start3A_9 : memref<1x16384xf32, #tpu.memory_space<vmem>> -> memref<16384xf32, #tpu.memory_space<vmem>>
    %dma_start3A_11 = tpu.memref_slice %arg2[%min3A] : memref<33554432xf32, #tpu.memory_space<hbm>> -> memref<16384xf32, #tpu.memory_space<hbm>>
    %dma_start3A_12 = arith.constant 0 : i32
    %dma_start3A_13 = tpu.memref_slice %arg7[%dma_start3A, %dma_start3A_12] : memref<2x16384xf32, #tpu.memory_space<vmem>> -> memref<1x16384xf32, #tpu.memory_space<vmem>>
    %dma_start3A_14 = tpu.memref_squeeze %dma_start3A_13 : memref<1x16384xf32, #tpu.memory_space<vmem>> -> memref<16384xf32, #tpu.memory_space<vmem>>
    %dma_start3A_15 = tpu.memref_slice %arg2[%min3A] : memref<33554432xf32, #tpu.memory_space<hbm>> -> memref<16384xf32, #tpu.memory_space<hbm>>
    tpu.enqueue_dma source(%dma_start3A_15 : memref<16384xf32, #tpu.memory_space<hbm>>) target(%dma_start3A_14 : memref<16384xf32, #tpu.memory_space<vmem>>) target_semaphore(%arg12 : memref<!tpu.dma_semaphore, #tpu.memory_space<semaphore_mem>>)
    %dma_start3A_16 = arith.constant 0 : i32
    %dma_start3A_17 = arith.constant 0 : i32
    %dma_start3A_18 = tpu.memref_slice %arg8[%dma_start3A_16, %dma_start3A_17] : memref<2x16384xf32, #tpu.memory_space<vmem>> -> memref<1x16384xf32, #tpu.memory_space<vmem>>
    %dma_start3A_19 = tpu.memref_squeeze %dma_start3A_18 : memref<1x16384xf32, #tpu.memory_space<vmem>> -> memref<16384xf32, #tpu.memory_space<vmem>>
    %dma_start3A_20 = tpu.memref_slice %arg3[%min3A] : memref<33554432xf32, #tpu.memory_space<hbm>> -> memref<16384xf32, #tpu.memory_space<hbm>>
    %dma_start3A_21 = arith.constant 0 : i32
    %dma_start3A_22 = tpu.memref_slice %arg8[%dma_start3A_16, %dma_start3A_21] : memref<2x16384xf32, #tpu.memory_space<vmem>> -> memref<1x16384xf32, #tpu.memory_space<vmem>>
    %dma_start3A_23 = tpu.memref_squeeze %dma_start3A_22 : memref<1x16384xf32, #tpu.memory_space<vmem>> -> memref<16384xf32, #tpu.memory_space<vmem>>
    %dma_start3A_24 = tpu.memref_slice %arg3[%min3A] : memref<33554432xf32, #tpu.memory_space<hbm>> -> memref<16384xf32, #tpu.memory_space<hbm>>
    tpu.enqueue_dma source(%dma_start3A_24 : memref<16384xf32, #tpu.memory_space<hbm>>) target(%dma_start3A_23 : memref<16384xf32, #tpu.memory_space<vmem>>) target_semaphore(%arg12 : memref<!tpu.dma_semaphore, #tpu.memory_space<semaphore_mem>>)
    %dma_start3A_25 = arith.constant 0 : i32
    %dma_start3A_26 = arith.constant 0 : i32
    %dma_start3A_27 = tpu.memref_slice %arg9[%dma_start3A_25, %dma_start3A_26] : memref<2x16384xf32, #tpu.memory_space<vmem>> -> memref<1x16384xf32, #tpu.memory_space<vmem>>
    %dma_start3A_28 = tpu.memref_squeeze %dma_start3A_27 : memref<1x16384xf32, #tpu.memory_space<vmem>> -> memref<16384xf32, #tpu.memory_space<vmem>>
    %dma_start3A_29 = tpu.memref_slice %arg4[%min3A] : memref<33554432xf32, #tpu.memory_space<hbm>> -> memref<16384xf32, #tpu.memory_space<hbm>>
    %dma_start3A_30 = arith.constant 0 : i32
    %dma_start3A_31 = tpu.memref_slice %arg9[%dma_start3A_25, %dma_start3A_30] : memref<2x16384xf32, #tpu.memory_space<vmem>> -> memref<1x16384xf32, #tpu.memory_space<vmem>>
    %dma_start3A_32 = tpu.memref_squeeze %dma_start3A_31 : memref<1x16384xf32, #tpu.memory_space<vmem>> -> memref<16384xf32, #tpu.memory_space<vmem>>
    %dma_start3A_33 = tpu.memref_slice %arg4[%min3A] : memref<33554432xf32, #tpu.memory_space<hbm>> -> memref<16384xf32, #tpu.memory_space<hbm>>
    tpu.enqueue_dma source(%dma_start3A_33 : memref<16384xf32, #tpu.memory_space<hbm>>) target(%dma_start3A_32 : memref<16384xf32, #tpu.memory_space<vmem>>) target_semaphore(%arg12 : memref<!tpu.dma_semaphore, #tpu.memory_space<semaphore_mem>>)
    %scan3A = arith.constant 0 : i32
    %scan3A_34 = arith.constant 32 : i32
    %scan3A_35 = arith.addi %scan3A, %scan3A_34 : i32
    %scan3A_36 = arith.constant 1 : i32
    %scan3A_37:16 = scf.for %scan3A_86 = %scan3A to %scan3A_35 step %scan3A_36 iter_args(%scan3A_87 = %broadcast_in_dim3A_5, %scan3A_88 = %broadcast_in_dim3A_5, %scan3A_89 = %broadcast_in_dim3A_5, %scan3A_90 = %broadcast_in_dim3A_5, %scan3A_91 = %broadcast_in_dim3A_5, %scan3A_92 = %broadcast_in_dim3A_5, %scan3A_93 = %broadcast_in_dim3A_5, %scan3A_94 = %broadcast_in_dim3A_5, %scan3A_95 = %broadcast_in_dim3A_5, %scan3A_96 = %broadcast_in_dim3A_5, %scan3A_97 = %broadcast_in_dim3A_5, %scan3A_98 = %broadcast_in_dim3A_5, %scan3A_99 = %broadcast_in_dim3A_5, %scan3A_100 = %broadcast_in_dim3A_5, %scan3A_101 = %broadcast_in_dim3A_5, %scan3A_102 = %broadcast_in_dim3A_5) -> (vector<16xf32>, vector<16xf32>, vector<16xf32>, vector<16xf32>, vector<16xf32>, vector<16xf32>, vector<16xf32>, vector<16xf32>, vector<16xf32>, vector<16xf32>, vector<16xf32>, vector<16xf32>, vector<16xf32>, vector<16xf32>, vector<16xf32>, vector<16xf32>)  : i32 {
      %mul3A_103 = arith.constant 2 : i32
      %mul3A_104 = arith.muli %mul3A_103, %scan3A_86 : i32
      %add3A_105 = arith.constant 1 : i32
      %add3A_106 = arith.addi %mul3A_104, %add3A_105 : i32
      %mul3A_107 = arith.constant 16384 : i32
      %mul3A_108 = arith.muli %add3A_106, %mul3A_107 : i32
      %add3A_109 = arith.addi %mul3A_2, %mul3A_108 : i32
      %min3A_110 = arith.minsi %add3A_109, %add3A_4 : i32
      %dma_start3A_111 = arith.constant 1 : i32
      %dma_start3A_112 = arith.constant 0 : i32
      %dma_start3A_113 = tpu.memref_slice %arg7[%dma_start3A_111, %dma_start3A_112] : memref<2x16384xf32, #tpu.memory_space<vmem>> -> memref<1x16384xf32, #tpu.memory_space<vmem>>
      %dma_start3A_114 = tpu.memref_squeeze %dma_start3A_113 : memref<1x16384xf32, #tpu.memory_space<vmem>> -> memref<16384xf32, #tpu.memory_space<vmem>>
      %dma_start3A_115 = tpu.memref_slice %arg2[%min3A_110] : memref<33554432xf32, #tpu.memory_space<hbm>> -> memref<16384xf32, #tpu.memory_space<hbm>>
      %dma_start3A_116 = arith.constant 0 : i32
      %dma_start3A_117 = tpu.memref_slice %arg7[%dma_start3A_111, %dma_start3A_116] : memref<2x16384xf32, #tpu.memory_space<vmem>> -> memref<1x16384xf32, #tpu.memory_space<vmem>>
      %dma_start3A_118 = tpu.memref_squeeze %dma_start3A_117 : memref<1x16384xf32, #tpu.memory_space<vmem>> -> memref<16384xf32, #tpu.memory_space<vmem>>
      %dma_start3A_119 = tpu.memref_slice %arg2[%min3A_110] : memref<33554432xf32, #tpu.memory_space<hbm>> -> memref<16384xf32, #tpu.memory_space<hbm>>
      tpu.enqueue_dma source(%dma_start3A_119 : memref<16384xf32, #tpu.memory_space<hbm>>) target(%dma_start3A_118 : memref<16384xf32, #tpu.memory_space<vmem>>) target_semaphore(%arg13 : memref<!tpu.dma_semaphore, #tpu.memory_space<semaphore_mem>>)
      %dma_start3A_120 = arith.constant 1 : i32
      %dma_start3A_121 = arith.constant 0 : i32
      %dma_start3A_122 = tpu.memref_slice %arg8[%dma_start3A_120, %dma_start3A_121] : memref<2x16384xf32, #tpu.memory_space<vmem>> -> memref<1x16384xf32, #tpu.memory_space<vmem>>
      %dma_start3A_123 = tpu.memref_squeeze %dma_start3A_122 : memref<1x16384xf32, #tpu.memory_space<vmem>> -> memref<16384xf32, #tpu.memory_space<vmem>>
      %dma_start3A_124 = tpu.memref_slice %arg3[%min3A_110] : memref<33554432xf32, #tpu.memory_space<hbm>> -> memref<16384xf32, #tpu.memory_space<hbm>>
      %dma_start3A_125 = arith.constant 0 : i32
      %dma_start3A_126 = tpu.memref_slice %arg8[%dma_start3A_120, %dma_start3A_125] : memref<2x16384xf32, #tpu.memory_space<vmem>> -> memref<1x16384xf32, #tpu.memory_space<vmem>>
      %dma_start3A_127 = tpu.memref_squeeze %dma_start3A_126 : memref<1x16384xf32, #tpu.memory_space<vmem>> -> memref<16384xf32, #tpu.memory_space<vmem>>
      %dma_start3A_128 = tpu.memref_slice %arg3[%min3A_110] : memref<33554432xf32, #tpu.memory_space<hbm>> -> memref<16384xf32, #tpu.memory_space<hbm>>
      tpu.enqueue_dma source(%dma_start3A_128 : memref<16384xf32, #tpu.memory_space<hbm>>) target(%dma_start3A_127 : memref<16384xf32, #tpu.memory_space<vmem>>) target_semaphore(%arg13 : memref<!tpu.dma_semaphore, #tpu.memory_space<semaphore_mem>>)
      %dma_start3A_129 = arith.constant 1 : i32
      %dma_start3A_130 = arith.constant 0 : i32
      %dma_start3A_131 = tpu.memref_slice %arg9[%dma_start3A_129, %dma_start3A_130] : memref<2x16384xf32, #tpu.memory_space<vmem>> -> memref<1x16384xf32, #tpu.memory_space<vmem>>
      %dma_start3A_132 = tpu.memref_squeeze %dma_start3A_131 : memref<1x16384xf32, #tpu.memory_space<vmem>> -> memref<16384xf32, #tpu.memory_space<vmem>>
      %dma_start3A_133 = tpu.memref_slice %arg4[%min3A_110] : memref<33554432xf32, #tpu.memory_space<hbm>> -> memref<16384xf32, #tpu.memory_space<hbm>>
      %dma_start3A_134 = arith.constant 0 : i32
      %dma_start3A_135 = tpu.memref_slice %arg9[%dma_start3A_129, %dma_start3A_134] : memref<2x16384xf32, #tpu.memory_space<vmem>> -> memref<1x16384xf32, #tpu.memory_space<vmem>>
      %dma_start3A_136 = tpu.memref_squeeze %dma_start3A_135 : memref<1x16384xf32, #tpu.memory_space<vmem>> -> memref<16384xf32, #tpu.memory_space<vmem>>
      %dma_start3A_137 = tpu.memref_slice %arg4[%min3A_110] : memref<33554432xf32, #tpu.memory_space<hbm>> -> memref<16384xf32, #tpu.memory_space<hbm>>
      tpu.enqueue_dma source(%dma_start3A_137 : memref<16384xf32, #tpu.memory_space<hbm>>) target(%dma_start3A_136 : memref<16384xf32, #tpu.memory_space<vmem>>) target_semaphore(%arg13 : memref<!tpu.dma_semaphore, #tpu.memory_space<semaphore_mem>>)
      %dma_wait3A_138 = arith.constant 0 : i32
      %dma_wait3A_139 = arith.constant 0 : i32
      %dma_wait3A_140 = tpu.memref_slice %arg7[%dma_wait3A_138, %dma_wait3A_139] : memref<2x16384xf32, #tpu.memory_space<vmem>> -> memref<1x16384xf32, #tpu.memory_space<vmem>>
      %dma_wait3A_141 = tpu.memref_squeeze %dma_wait3A_140 : memref<1x16384xf32, #tpu.memory_space<vmem>> -> memref<16384xf32, #tpu.memory_space<vmem>>
      %dma_wait3A_142 = tpu.memref_slice %arg2[%mul3A_2] : memref<33554432xf32, #tpu.memory_space<hbm>> -> memref<16384xf32, #tpu.memory_space<hbm>>
      %dma_wait3A_143 = arith.constant 0 : i32
      %dma_wait3A_144 = tpu.memref_slice %arg7[%dma_wait3A_138, %dma_wait3A_143] : memref<2x16384xf32, #tpu.memory_space<vmem>> -> memref<1x16384xf32, #tpu.memory_space<vmem>>
      %dma_wait3A_145 = tpu.memref_squeeze %dma_wait3A_144 : memref<1x16384xf32, #tpu.memory_space<vmem>> -> memref<16384xf32, #tpu.memory_space<vmem>>
      %dma_wait3A_146 = tpu.memref_slice %arg2[%mul3A_2] : memref<33554432xf32, #tpu.memory_space<hbm>> -> memref<16384xf32, #tpu.memory_space<hbm>>
      tpu.wait_dma2 semaphore(%arg12 : memref<!tpu.dma_semaphore, #tpu.memory_space<semaphore_mem>>) src(%dma_wait3A_146 : memref<16384xf32, #tpu.memory_space<hbm>>) dst(%dma_wait3A_145 : memref<16384xf32, #tpu.memory_space<vmem>>)
      %dma_wait3A_147 = arith.constant 0 : i32
      %dma_wait3A_148 = arith.constant 0 : i32
      %dma_wait3A_149 = tpu.memref_slice %arg8[%dma_wait3A_147, %dma_wait3A_148] : memref<2x16384xf32, #tpu.memory_space<vmem>> -> memref<1x16384xf32, #tpu.memory_space<vmem>>
      %dma_wait3A_150 = tpu.memref_squeeze %dma_wait3A_149 : memref<1x16384xf32, #tpu.memory_space<vmem>> -> memref<16384xf32, #tpu.memory_space<vmem>>
      %dma_wait3A_151 = tpu.memref_slice %arg3[%mul3A_2] : memref<33554432xf32, #tpu.memory_space<hbm>> -> memref<16384xf32, #tpu.memory_space<hbm>>
      %dma_wait3A_152 = arith.constant 0 : i32
      %dma_wait3A_153 = tpu.memref_slice %arg8[%dma_wait3A_147, %dma_wait3A_152] : memref<2x16384xf32, #tpu.memory_space<vmem>> -> memref<1x16384xf32, #tpu.memory_space<vmem>>
      %dma_wait3A_154 = tpu.memref_squeeze %dma_wait3A_153 : memref<1x16384xf32, #tpu.memory_space<vmem>> -> memref<16384xf32, #tpu.memory_space<vmem>>
      %dma_wait3A_155 = tpu.memref_slice %arg3[%mul3A_2] : memref<33554432xf32, #tpu.memory_space<hbm>> -> memref<16384xf32, #tpu.memory_space<hbm>>
      tpu.wait_dma2 semaphore(%arg12 : memref<!tpu.dma_semaphore, #tpu.memory_space<semaphore_mem>>) src(%dma_wait3A_155 : memref<16384xf32, #tpu.memory_space<hbm>>) dst(%dma_wait3A_154 : memref<16384xf32, #tpu.memory_space<vmem>>)
      %dma_wait3A_156 = arith.constant 0 : i32
      %dma_wait3A_157 = arith.constant 0 : i32
      %dma_wait3A_158 = tpu.memref_slice %arg9[%dma_wait3A_156, %dma_wait3A_157] : memref<2x16384xf32, #tpu.memory_space<vmem>> -> memref<1x16384xf32, #tpu.memory_space<vmem>>
      %dma_wait3A_159 = tpu.memref_squeeze %dma_wait3A_158 : memref<1x16384xf32, #tpu.memory_space<vmem>> -> memref<16384xf32, #tpu.memory_space<vmem>>
      %dma_wait3A_160 = tpu.memref_slice %arg4[%mul3A_2] : memref<33554432xf32, #tpu.memory_space<hbm>> -> memref<16384xf32, #tpu.memory_space<hbm>>
      %dma_wait3A_161 = arith.constant 0 : i32
      %dma_wait3A_162 = tpu.memref_slice %arg9[%dma_wait3A_156, %dma_wait3A_161] : memref<2x16384xf32, #tpu.memory_space<vmem>> -> memref<1x16384xf32, #tpu.memory_space<vmem>>
      %dma_wait3A_163 = tpu.memref_squeeze %dma_wait3A_162 : memref<1x16384xf32, #tpu.memory_space<vmem>> -> memref<16384xf32, #tpu.memory_space<vmem>>
      %dma_wait3A_164 = tpu.memref_slice %arg4[%mul3A_2] : memref<33554432xf32, #tpu.memory_space<hbm>> -> memref<16384xf32, #tpu.memory_space<hbm>>
      tpu.wait_dma2 semaphore(%arg12 : memref<!tpu.dma_semaphore, #tpu.memory_space<semaphore_mem>>) src(%dma_wait3A_164 : memref<16384xf32, #tpu.memory_space<hbm>>) dst(%dma_wait3A_163 : memref<16384xf32, #tpu.memory_space<vmem>>)
      %scan3A_165 = arith.constant 0 : i32
      %scan3A_166 = arith.constant 0 : i32
      %scan3A_167 = arith.constant 0 : i32
      %scan3A_168 = arith.constant 0 : i32
      %scan3A_169 = arith.constant 128 : i32
      %scan3A_170 = arith.addi %scan3A_168, %scan3A_169 : i32
      %scan3A_171 = arith.constant 1 : i32
      %scan3A_172:16 = scf.for %scan3A_243 = %scan3A_168 to %scan3A_170 step %scan3A_171 iter_args(%scan3A_244 = %scan3A_87, %scan3A_245 = %scan3A_88, %scan3A_246 = %scan3A_89, %scan3A_247 = %scan3A_90, %scan3A_248 = %scan3A_91, %scan3A_249 = %scan3A_92, %scan3A_250 = %scan3A_93, %scan3A_251 = %scan3A_94, %scan3A_252 = %scan3A_95, %scan3A_253 = %scan3A_96, %scan3A_254 = %scan3A_97, %scan3A_255 = %scan3A_98, %scan3A_256 = %scan3A_99, %scan3A_257 = %scan3A_100, %scan3A_258 = %scan3A_101, %scan3A_259 = %scan3A_102) -> (vector<16xf32>, vector<16xf32>, vector<16xf32>, vector<16xf32>, vector<16xf32>, vector<16xf32>, vector<16xf32>, vector<16xf32>, vector<16xf32>, vector<16xf32>, vector<16xf32>, vector<16xf32>, vector<16xf32>, vector<16xf32>, vector<16xf32>, vector<16xf32>)  : i32 {
        %mul3A_260 = arith.constant 128 : i32
        %mul3A_261 = arith.muli %scan3A_243, %mul3A_260 : i32
        %add3A_262 = arith.constant 0 : i32
        %add3A_263 = arith.addi %mul3A_261, %add3A_262 : i32
        %get3A = arith.constant 0 : i32
        %get3A_264 = tpu.memref_slice %arg7[%scan3A_165, %get3A] : memref<2x16384xf32, #tpu.memory_space<vmem>> -> memref<1x16384xf32, #tpu.memory_space<vmem>>
        %get3A_265 = tpu.memref_squeeze %get3A_264 : memref<1x16384xf32, #tpu.memory_space<vmem>> -> memref<16384xf32, #tpu.memory_space<vmem>>
        %get3A_266 = arith.index_cast %add3A_263 : i32 to index
        %get3A_267 = tpu.vector_load %get3A_265[%get3A_266] {strides = array<i32>} : memref<16384xf32, #tpu.memory_space<vmem>>, vector<16xf32>,
        %get3A_268 = vector.shape_cast %get3A_267 : vector<16xf32> to vector<16xf32>
        %get3A_269 = arith.constant 0 : i32
        %get3A_270 = tpu.memref_slice %arg8[%scan3A_166, %get3A_269] : memref<2x16384xf32, #tpu.memory_space<vmem>> -> memref<1x16384xf32, #tpu.memory_space<vmem>>
        %get3A_271 = tpu.memref_squeeze %get3A_270 : memref<1x16384xf32, #tpu.memory_space<vmem>> -> memref<16384xf32, #tpu.memory_space<vmem>>
        %get3A_272 = arith.index_cast %add3A_263 : i32 to index
        %get3A_273 = tpu.vector_load %get3A_271[%get3A_272] {strides = array<i32>} : memref<16384xf32, #tpu.memory_space<vmem>>, vector<16xf32>,
        %get3A_274 = vector.shape_cast %get3A_273 : vector<16xf32> to vector<16xf32>
        %get3A_275 = arith.constant 0 : i32
        %get3A_276 = tpu.memref_slice %arg9[%scan3A_167, %get3A_275] : memref<2x16384xf32, #tpu.memory_space<vmem>> -> memref<1x16384xf32, #tpu.memory_space<vmem>>
        %get3A_277 = tpu.memref_squeeze %get3A_276 : memref<1x16384xf32, #tpu.memory_space<vmem>> -> memref<16384xf32, #tpu.memory_space<vmem>>
        %get3A_278 = arith.index_cast %add3A_263 : i32 to index
        %get3A_279 = tpu.vector_load %get3A_277[%get3A_278] {strides = array<i32>} : memref<16384xf32, #tpu.memory_space<vmem>>, vector<16xf32>,
        %get3A_280 = vector.shape_cast %get3A_279 : vector<16xf32> to vector<16xf32>
        %abs3A = math.absf %get3A_280 : vector<16xf32>
        %gt3A = arith.constant 0.00999999977 : f32
        %gt3A_281 = vector.broadcast %gt3A : f32 to vector<16xf32>
        %gt3A_282 = arith.cmpf ogt, %abs3A, %gt3A_281 : vector<16xf32>
        %sub3A = arith.subf %get3A_268, %get3A_274 : vector<16xf32>
        %mul3A_283 = arith.mulf %sub3A, %sub3A : vector<16xf32>
        %jit3A = arith.constant 0.000000e+00 : f32
        %broadcast_in_dim3A_284 = vector.broadcast %jit3A : f32 to vector<16xf32>
        %select_n3A = arith.select %gt3A_282, %mul3A_283, %broadcast_in_dim3A_284 : vector<16xi1>, vector<16xf32>
        %add3A_285 = arith.addf %scan3A_244, %select_n3A : vector<16xf32>
        %jit3A_286 = arith.constant 1.000000e+00 : f32
        %jit3A_287 = arith.constant 0.000000e+00 : f32
        %broadcast_in_dim3A_288 = vector.broadcast %jit3A_286 : f32 to vector<16xf32>
        %broadcast_in_dim3A_289 = vector.broadcast %jit3A_287 : f32 to vector<16xf32>
        %select_n3A_290 = arith.select %gt3A_282, %broadcast_in_dim3A_288, %broadcast_in_dim3A_289 : vector<16xi1>, vector<16xf32>
        %add3A_291 = arith.addf %scan3A_245, %select_n3A_290 : vector<16xf32>
        %add3A_292 = arith.constant 16 : i32
        %add3A_293 = arith.addi %mul3A_261, %add3A_292 : i32
        %get3A_294 = arith.constant 0 : i32
        %get3A_295 = tpu.memref_slice %arg7[%scan3A_165, %get3A_294] : memref<2x16384xf32, #tpu.memory_space<vmem>> -> memref<1x16384xf32, #tpu.memory_space<vmem>>
        %get3A_296 = tpu.memref_squeeze %get3A_295 : memref<1x16384xf32, #tpu.memory_space<vmem>> -> memref<16384xf32, #tpu.memory_space<vmem>>
        %get3A_297 = arith.index_cast %add3A_293 : i32 to index
        %get3A_298 = tpu.vector_load %get3A_296[%get3A_297] {strides = array<i32>} : memref<16384xf32, #tpu.memory_space<vmem>>, vector<16xf32>,
        %get3A_299 = vector.shape_cast %get3A_298 : vector<16xf32> to vector<16xf32>
        %get3A_300 = arith.constant 0 : i32
        %get3A_301 = tpu.memref_slice %arg8[%scan3A_166, %get3A_300] : memref<2x16384xf32, #tpu.memory_space<vmem>> -> memref<1x16384xf32, #tpu.memory_space<vmem>>
        %get3A_302 = tpu.memref_squeeze %get3A_301 : memref<1x16384xf32, #tpu.memory_space<vmem>> -> memref<16384xf32, #tpu.memory_space<vmem>>
        %get3A_303 = arith.index_cast %add3A_293 : i32 to index
        %get3A_304 = tpu.vector_load %get3A_302[%get3A_303] {strides = array<i32>} : memref<16384xf32, #tpu.memory_space<vmem>>, vector<16xf32>,
        %get3A_305 = vector.shape_cast %get3A_304 : vector<16xf32> to vector<16xf32>
        %get3A_306 = arith.constant 0 : i32
        %get3A_307 = tpu.memref_slice %arg9[%scan3A_167, %get3A_306] : memref<2x16384xf32, #tpu.memory_space<vmem>> -> memref<1x16384xf32, #tpu.memory_space<vmem>>
        %get3A_308 = tpu.memref_squeeze %get3A_307 : memref<1x16384xf32, #tpu.memory_space<vmem>> -> memref<16384xf32, #tpu.memory_space<vmem>>
        %get3A_309 = arith.index_cast %add3A_293 : i32 to index
        %get3A_310 = tpu.vector_load %get3A_308[%get3A_309] {strides = array<i32>} : memref<16384xf32, #tpu.memory_space<vmem>>, vector<16xf32>,
        %get3A_311 = vector.shape_cast %get3A_310 : vector<16xf32> to vector<16xf32>
        %abs3A_312 = math.absf %get3A_311 : vector<16xf32>
        %gt3A_313 = arith.constant 0.00999999977 : f32
        %gt3A_314 = vector.broadcast %gt3A_313 : f32 to vector<16xf32>
        %gt3A_315 = arith.cmpf ogt, %abs3A_312, %gt3A_314 : vector<16xf32>
        %sub3A_316 = arith.subf %get3A_299, %get3A_305 : vector<16xf32>
        %mul3A_317 = arith.mulf %sub3A_316, %sub3A_316 : vector<16xf32>
        %jit3A_318 = arith.constant 0.000000e+00 : f32
        %broadcast_in_dim3A_319 = vector.broadcast %jit3A_318 : f32 to vector<16xf32>
        %select_n3A_320 = arith.select %gt3A_315, %mul3A_317, %broadcast_in_dim3A_319 : vector<16xi1>, vector<16xf32>
        %add3A_321 = arith.addf %scan3A_246, %select_n3A_320 : vector<16xf32>
        %jit3A_322 = arith.constant 1.000000e+00 : f32
        %jit3A_323 = arith.constant 0.000000e+00 : f32
        %broadcast_in_dim3A_324 = vector.broadcast %jit3A_322 : f32 to vector<16xf32>
        %broadcast_in_dim3A_325 = vector.broadcast %jit3A_323 : f32 to vector<16xf32>
        %select_n3A_326 = arith.select %gt3A_315, %broadcast_in_dim3A_324, %broadcast_in_dim3A_325 : vector<16xi1>, vector<16xf32>
        %add3A_327 = arith.addf %scan3A_247, %select_n3A_326 : vector<16xf32>
        %add3A_328 = arith.constant 32 : i32
        %add3A_329 = arith.addi %mul3A_261, %add3A_328 : i32
        %get3A_330 = arith.constant 0 : i32
        %get3A_331 = tpu.memref_slice %arg7[%scan3A_165, %get3A_330] : memref<2x16384xf32, #tpu.memory_space<vmem>> -> memref<1x16384xf32, #tpu.memory_space<vmem>>
        %get3A_332 = tpu.memref_squeeze %get3A_331 : memref<1x16384xf32, #tpu.memory_space<vmem>> -> memref<16384xf32, #tpu.memory_space<vmem>>
        %get3A_333 = arith.index_cast %add3A_329 : i32 to index
        %get3A_334 = tpu.vector_load %get3A_332[%get3A_333] {strides = array<i32>} : memref<16384xf32, #tpu.memory_space<vmem>>, vector<16xf32>,
        %get3A_335 = vector.shape_cast %get3A_334 : vector<16xf32> to vector<16xf32>
        %get3A_336 = arith.constant 0 : i32
        %get3A_337 = tpu.memref_slice %arg8[%scan3A_166, %get3A_336] : memref<2x16384xf32, #tpu.memory_space<vmem>> -> memref<1x16384xf32, #tpu.memory_space<vmem>>
        %get3A_338 = tpu.memref_squeeze %get3A_337 : memref<1x16384xf32, #tpu.memory_space<vmem>> -> memref<16384xf32, #tpu.memory_space<vmem>>
        %get3A_339 = arith.index_cast %add3A_329 : i32 to index
        %get3A_340 = tpu.vector_load %get3A_338[%get3A_339] {strides = array<i32>} : memref<16384xf32, #tpu.memory_space<vmem>>, vector<16xf32>,
        %get3A_341 = vector.shape_cast %get3A_340 : vector<16xf32> to vector<16xf32>
        %get3A_342 = arith.constant 0 : i32
        %get3A_343 = tpu.memref_slice %arg9[%scan3A_167, %get3A_342] : memref<2x16384xf32, #tpu.memory_space<vmem>> -> memref<1x16384xf32, #tpu.memory_space<vmem>>
        %get3A_344 = tpu.memref_squeeze %get3A_343 : memref<1x16384xf32, #tpu.memory_space<vmem>> -> memref<16384xf32, #tpu.memory_space<vmem>>
        %get3A_345 = arith.index_cast %add3A_329 : i32 to index
        %get3A_346 = tpu.vector_load %get3A_344[%get3A_345] {strides = array<i32>} : memref<16384xf32, #tpu.memory_space<vmem>>, vector<16xf32>,
        %get3A_347 = vector.shape_cast %get3A_346 : vector<16xf32> to vector<16xf32>
        %abs3A_348 = math.absf %get3A_347 : vector<16xf32>
        %gt3A_349 = arith.constant 0.00999999977 : f32
        %gt3A_350 = vector.broadcast %gt3A_349 : f32 to vector<16xf32>
        %gt3A_351 = arith.cmpf ogt, %abs3A_348, %gt3A_350 : vector<16xf32>
        %sub3A_352 = arith.subf %get3A_335, %get3A_341 : vector<16xf32>
        %mul3A_353 = arith.mulf %sub3A_352, %sub3A_352 : vector<16xf32>
        %jit3A_354 = arith.constant 0.000000e+00 : f32
        %broadcast_in_dim3A_355 = vector.broadcast %jit3A_354 : f32 to vector<16xf32>
        %select_n3A_356 = arith.select %gt3A_351, %mul3A_353, %broadcast_in_dim3A_355 : vector<16xi1>, vector<16xf32>
        %add3A_357 = arith.addf %scan3A_248, %select_n3A_356 : vector<16xf32>
        %jit3A_358 = arith.constant 1.000000e+00 : f32
        %jit3A_359 = arith.constant 0.000000e+00 : f32
        %broadcast_in_dim3A_360 = vector.broadcast %jit3A_358 : f32 to vector<16xf32>
        %broadcast_in_dim3A_361 = vector.broadcast %jit3A_359 : f32 to vector<16xf32>
        %select_n3A_362 = arith.select %gt3A_351, %broadcast_in_dim3A_360, %broadcast_in_dim3A_361 : vector<16xi1>, vector<16xf32>
        %add3A_363 = arith.addf %scan3A_249, %select_n3A_362 : vector<16xf32>
        %add3A_364 = arith.constant 48 : i32
        %add3A_365 = arith.addi %mul3A_261, %add3A_364 : i32
        %get3A_366 = arith.constant 0 : i32
        %get3A_367 = tpu.memref_slice %arg7[%scan3A_165, %get3A_366] : memref<2x16384xf32, #tpu.memory_space<vmem>> -> memref<1x16384xf32, #tpu.memory_space<vmem>>
        %get3A_368 = tpu.memref_squeeze %get3A_367 : memref<1x16384xf32, #tpu.memory_space<vmem>> -> memref<16384xf32, #tpu.memory_space<vmem>>
        %get3A_369 = arith.index_cast %add3A_365 : i32 to index
        %get3A_370 = tpu.vector_load %get3A_368[%get3A_369] {strides = array<i32>} : memref<16384xf32, #tpu.memory_space<vmem>>, vector<16xf32>,
        %get3A_371 = vector.shape_cast %get3A_370 : vector<16xf32> to vector<16xf32>
        %get3A_372 = arith.constant 0 : i32
        %get3A_373 = tpu.memref_slice %arg8[%scan3A_166, %get3A_372] : memref<2x16384xf32, #tpu.memory_space<vmem>> -> memref<1x16384xf32, #tpu.memory_space<vmem>>
        %get3A_374 = tpu.memref_squeeze %get3A_373 : memref<1x16384xf32, #tpu.memory_space<vmem>> -> memref<16384xf32, #tpu.memory_space<vmem>>
        %get3A_375 = arith.index_cast %add3A_365 : i32 to index
        %get3A_376 = tpu.vector_load %get3A_374[%get3A_375] {strides = array<i32>} : memref<16384xf32, #tpu.memory_space<vmem>>, vector<16xf32>,
        %get3A_377 = vector.shape_cast %get3A_376 : vector<16xf32> to vector<16xf32>
        %get3A_378 = arith.constant 0 : i32
        %get3A_379 = tpu.memref_slice %arg9[%scan3A_167, %get3A_378] : memref<2x16384xf32, #tpu.memory_space<vmem>> -> memref<1x16384xf32, #tpu.memory_space<vmem>>
        %get3A_380 = tpu.memref_squeeze %get3A_379 : memref<1x16384xf32, #tpu.memory_space<vmem>> -> memref<16384xf32, #tpu.memory_space<vmem>>
        %get3A_381 = arith.index_cast %add3A_365 : i32 to index
        %get3A_382 = tpu.vector_load %get3A_380[%get3A_381] {strides = array<i32>} : memref<16384xf32, #tpu.memory_space<vmem>>, vector<16xf32>,
        %get3A_383 = vector.shape_cast %get3A_382 : vector<16xf32> to vector<16xf32>
        %abs3A_384 = math.absf %get3A_383 : vector<16xf32>
        %gt3A_385 = arith.constant 0.00999999977 : f32
        %gt3A_386 = vector.broadcast %gt3A_385 : f32 to vector<16xf32>
        %gt3A_387 = arith.cmpf ogt, %abs3A_384, %gt3A_386 : vector<16xf32>
        %sub3A_388 = arith.subf %get3A_371, %get3A_377 : vector<16xf32>
        %mul3A_389 = arith.mulf %sub3A_388, %sub3A_388 : vector<16xf32>
        %jit3A_390 = arith.constant 0.000000e+00 : f32
        %broadcast_in_dim3A_391 = vector.broadcast %jit3A_390 : f32 to vector<16xf32>
        %select_n3A_392 = arith.select %gt3A_387, %mul3A_389, %broadcast_in_dim3A_391 : vector<16xi1>, vector<16xf32>
        %add3A_393 = arith.addf %scan3A_250, %select_n3A_392 : vector<16xf32>
        %jit3A_394 = arith.constant 1.000000e+00 : f32
        %jit3A_395 = arith.constant 0.000000e+00 : f32
        %broadcast_in_dim3A_396 = vector.broadcast %jit3A_394 : f32 to vector<16xf32>
        %broadcast_in_dim3A_397 = vector.broadcast %jit3A_395 : f32 to vector<16xf32>
        %select_n3A_398 = arith.select %gt3A_387, %broadcast_in_dim3A_396, %broadcast_in_dim3A_397 : vector<16xi1>, vector<16xf32>
        %add3A_399 = arith.addf %scan3A_251, %select_n3A_398 : vector<16xf32>
        %add3A_400 = arith.constant 64 : i32
        %add3A_401 = arith.addi %mul3A_261, %add3A_400 : i32
        %get3A_402 = arith.constant 0 : i32
        %get3A_403 = tpu.memref_slice %arg7[%scan3A_165, %get3A_402] : memref<2x16384xf32, #tpu.memory_space<vmem>> -> memref<1x16384xf32, #tpu.memory_space<vmem>>
        %get3A_404 = tpu.memref_squeeze %get3A_403 : memref<1x16384xf32, #tpu.memory_space<vmem>> -> memref<16384xf32, #tpu.memory_space<vmem>>
        %get3A_405 = arith.index_cast %add3A_401 : i32 to index
        %get3A_406 = tpu.vector_load %get3A_404[%get3A_405] {strides = array<i32>} : memref<16384xf32, #tpu.memory_space<vmem>>, vector<16xf32>,
        %get3A_407 = vector.shape_cast %get3A_406 : vector<16xf32> to vector<16xf32>
        %get3A_408 = arith.constant 0 : i32
        %get3A_409 = tpu.memref_slice %arg8[%scan3A_166, %get3A_408] : memref<2x16384xf32, #tpu.memory_space<vmem>> -> memref<1x16384xf32, #tpu.memory_space<vmem>>
        %get3A_410 = tpu.memref_squeeze %get3A_409 : memref<1x16384xf32, #tpu.memory_space<vmem>> -> memref<16384xf32, #tpu.memory_space<vmem>>
        %get3A_411 = arith.index_cast %add3A_401 : i32 to index
        %get3A_412 = tpu.vector_load %get3A_410[%get3A_411] {strides = array<i32>} : memref<16384xf32, #tpu.memory_space<vmem>>, vector<16xf32>,
        %get3A_413 = vector.shape_cast %get3A_412 : vector<16xf32> to vector<16xf32>
        %get3A_414 = arith.constant 0 : i32
        %get3A_415 = tpu.memref_slice %arg9[%scan3A_167, %get3A_414] : memref<2x16384xf32, #tpu.memory_space<vmem>> -> memref<1x16384xf32, #tpu.memory_space<vmem>>
        %get3A_416 = tpu.memref_squeeze %get3A_415 : memref<1x16384xf32, #tpu.memory_space<vmem>> -> memref<16384xf32, #tpu.memory_space<vmem>>
        %get3A_417 = arith.index_cast %add3A_401 : i32 to index
        %get3A_418 = tpu.vector_load %get3A_416[%get3A_417] {strides = array<i32>} : memref<16384xf32, #tpu.memory_space<vmem>>, vector<16xf32>,
        %get3A_419 = vector.shape_cast %get3A_418 : vector<16xf32> to vector<16xf32>
        %abs3A_420 = math.absf %get3A_419 : vector<16xf32>
        %gt3A_421 = arith.constant 0.00999999977 : f32
        %gt3A_422 = vector.broadcast %gt3A_421 : f32 to vector<16xf32>
        %gt3A_423 = arith.cmpf ogt, %abs3A_420, %gt3A_422 : vector<16xf32>
        %sub3A_424 = arith.subf %get3A_407, %get3A_413 : vector<16xf32>
        %mul3A_425 = arith.mulf %sub3A_424, %sub3A_424 : vector<16xf32>
        %jit3A_426 = arith.constant 0.000000e+00 : f32
        %broadcast_in_dim3A_427 = vector.broadcast %jit3A_426 : f32 to vector<16xf32>
        %select_n3A_428 = arith.select %gt3A_423, %mul3A_425, %broadcast_in_dim3A_427 : vector<16xi1>, vector<16xf32>
        %add3A_429 = arith.addf %scan3A_252, %select_n3A_428 : vector<16xf32>
        %jit3A_430 = arith.constant 1.000000e+00 : f32
        %jit3A_431 = arith.constant 0.000000e+00 : f32
        %broadcast_in_dim3A_432 = vector.broadcast %jit3A_430 : f32 to vector<16xf32>
        %broadcast_in_dim3A_433 = vector.broadcast %jit3A_431 : f32 to vector<16xf32>
        %select_n3A_434 = arith.select %gt3A_423, %broadcast_in_dim3A_432, %broadcast_in_dim3A_433 : vector<16xi1>, vector<16xf32>
        %add3A_435 = arith.addf %scan3A_253, %select_n3A_434 : vector<16xf32>
        %add3A_436 = arith.constant 80 : i32
        %add3A_437 = arith.addi %mul3A_261, %add3A_436 : i32
        %get3A_438 = arith.constant 0 : i32
        %get3A_439 = tpu.memref_slice %arg7[%scan3A_165, %get3A_438] : memref<2x16384xf32, #tpu.memory_space<vmem>> -> memref<1x16384xf32, #tpu.memory_space<vmem>>
        %get3A_440 = tpu.memref_squeeze %get3A_439 : memref<1x16384xf32, #tpu.memory_space<vmem>> -> memref<16384xf32, #tpu.memory_space<vmem>>
        %get3A_441 = arith.index_cast %add3A_437 : i32 to index
        %get3A_442 = tpu.vector_load %get3A_440[%get3A_441] {strides = array<i32>} : memref<16384xf32, #tpu.memory_space<vmem>>, vector<16xf32>,
        %get3A_443 = vector.shape_cast %get3A_442 : vector<16xf32> to vector<16xf32>
        %get3A_444 = arith.constant 0 : i32
        %get3A_445 = tpu.memref_slice %arg8[%scan3A_166, %get3A_444] : memref<2x16384xf32, #tpu.memory_space<vmem>> -> memref<1x16384xf32, #tpu.memory_space<vmem>>
        %get3A_446 = tpu.memref_squeeze %get3A_445 : memref<1x16384xf32, #tpu.memory_space<vmem>> -> memref<16384xf32, #tpu.memory_space<vmem>>
        %get3A_447 = arith.index_cast %add3A_437 : i32 to index
        %get3A_448 = tpu.vector_load %get3A_446[%get3A_447] {strides = array<i32>} : memref<16384xf32, #tpu.memory_space<vmem>>, vector<16xf32>,
        %get3A_449 = vector.shape_cast %get3A_448 : vector<16xf32> to vector<16xf32>
        %get3A_450 = arith.constant 0 : i32
        %get3A_451 = tpu.memref_slice %arg9[%scan3A_167, %get3A_450] : memref<2x16384xf32, #tpu.memory_space<vmem>> -> memref<1x16384xf32, #tpu.memory_space<vmem>>
        %get3A_452 = tpu.memref_squeeze %get3A_451 : memref<1x16384xf32, #tpu.memory_space<vmem>> -> memref<16384xf32, #tpu.memory_space<vmem>>
        %get3A_453 = arith.index_cast %add3A_437 : i32 to index
        %get3A_454 = tpu.vector_load %get3A_452[%get3A_453] {strides = array<i32>} : memref<16384xf32, #tpu.memory_space<vmem>>, vector<16xf32>,
        %get3A_455 = vector.shape_cast %get3A_454 : vector<16xf32> to vector<16xf32>
        %abs3A_456 = math.absf %get3A_455 : vector<16xf32>
        %gt3A_457 = arith.constant 0.00999999977 : f32
        %gt3A_458 = vector.broadcast %gt3A_457 : f32 to vector<16xf32>
        %gt3A_459 = arith.cmpf ogt, %abs3A_456, %gt3A_458 : vector<16xf32>
        %sub3A_460 = arith.subf %get3A_443, %get3A_449 : vector<16xf32>
        %mul3A_461 = arith.mulf %sub3A_460, %sub3A_460 : vector<16xf32>
        %jit3A_462 = arith.constant 0.000000e+00 : f32
        %broadcast_in_dim3A_463 = vector.broadcast %jit3A_462 : f32 to vector<16xf32>
        %select_n3A_464 = arith.select %gt3A_459, %mul3A_461, %broadcast_in_dim3A_463 : vector<16xi1>, vector<16xf32>
        %add3A_465 = arith.addf %scan3A_254, %select_n3A_464 : vector<16xf32>
        %jit3A_466 = arith.constant 1.000000e+00 : f32
        %jit3A_467 = arith.constant 0.000000e+00 : f32
        %broadcast_in_dim3A_468 = vector.broadcast %jit3A_466 : f32 to vector<16xf32>
        %broadcast_in_dim3A_469 = vector.broadcast %jit3A_467 : f32 to vector<16xf32>
        %select_n3A_470 = arith.select %gt3A_459, %broadcast_in_dim3A_468, %broadcast_in_dim3A_469 : vector<16xi1>, vector<16xf32>
        %add3A_471 = arith.addf %scan3A_255, %select_n3A_470 : vector<16xf32>
        %add3A_472 = arith.constant 96 : i32
        %add3A_473 = arith.addi %mul3A_261, %add3A_472 : i32
        %get3A_474 = arith.constant 0 : i32
        %get3A_475 = tpu.memref_slice %arg7[%scan3A_165, %get3A_474] : memref<2x16384xf32, #tpu.memory_space<vmem>> -> memref<1x16384xf32, #tpu.memory_space<vmem>>
        %get3A_476 = tpu.memref_squeeze %get3A_475 : memref<1x16384xf32, #tpu.memory_space<vmem>> -> memref<16384xf32, #tpu.memory_space<vmem>>
        %get3A_477 = arith.index_cast %add3A_473 : i32 to index
        %get3A_478 = tpu.vector_load %get3A_476[%get3A_477] {strides = array<i32>} : memref<16384xf32, #tpu.memory_space<vmem>>, vector<16xf32>,
        %get3A_479 = vector.shape_cast %get3A_478 : vector<16xf32> to vector<16xf32>
        %get3A_480 = arith.constant 0 : i32
        %get3A_481 = tpu.memref_slice %arg8[%scan3A_166, %get3A_480] : memref<2x16384xf32, #tpu.memory_space<vmem>> -> memref<1x16384xf32, #tpu.memory_space<vmem>>
        %get3A_482 = tpu.memref_squeeze %get3A_481 : memref<1x16384xf32, #tpu.memory_space<vmem>> -> memref<16384xf32, #tpu.memory_space<vmem>>
        %get3A_483 = arith.index_cast %add3A_473 : i32 to index
        %get3A_484 = tpu.vector_load %get3A_482[%get3A_483] {strides = array<i32>} : memref<16384xf32, #tpu.memory_space<vmem>>, vector<16xf32>,
        %get3A_485 = vector.shape_cast %get3A_484 : vector<16xf32> to vector<16xf32>
        %get3A_486 = arith.constant 0 : i32
        %get3A_487 = tpu.memref_slice %arg9[%scan3A_167, %get3A_486] : memref<2x16384xf32, #tpu.memory_space<vmem>> -> memref<1x16384xf32, #tpu.memory_space<vmem>>
        %get3A_488 = tpu.memref_squeeze %get3A_487 : memref<1x16384xf32, #tpu.memory_space<vmem>> -> memref<16384xf32, #tpu.memory_space<vmem>>
        %get3A_489 = arith.index_cast %add3A_473 : i32 to index
        %get3A_490 = tpu.vector_load %get3A_488[%get3A_489] {strides = array<i32>} : memref<16384xf32, #tpu.memory_space<vmem>>, vector<16xf32>,
        %get3A_491 = vector.shape_cast %get3A_490 : vector<16xf32> to vector<16xf32>
        %abs3A_492 = math.absf %get3A_491 : vector<16xf32>
        %gt3A_493 = arith.constant 0.00999999977 : f32
        %gt3A_494 = vector.broadcast %gt3A_493 : f32 to vector<16xf32>
        %gt3A_495 = arith.cmpf ogt, %abs3A_492, %gt3A_494 : vector<16xf32>
        %sub3A_496 = arith.subf %get3A_479, %get3A_485 : vector<16xf32>
        %mul3A_497 = arith.mulf %sub3A_496, %sub3A_496 : vector<16xf32>
        %jit3A_498 = arith.constant 0.000000e+00 : f32
        %broadcast_in_dim3A_499 = vector.broadcast %jit3A_498 : f32 to vector<16xf32>
        %select_n3A_500 = arith.select %gt3A_495, %mul3A_497, %broadcast_in_dim3A_499 : vector<16xi1>, vector<16xf32>
        %add3A_501 = arith.addf %scan3A_256, %select_n3A_500 : vector<16xf32>
        %jit3A_502 = arith.constant 1.000000e+00 : f32
        %jit3A_503 = arith.constant 0.000000e+00 : f32
        %broadcast_in_dim3A_504 = vector.broadcast %jit3A_502 : f32 to vector<16xf32>
        %broadcast_in_dim3A_505 = vector.broadcast %jit3A_503 : f32 to vector<16xf32>
        %select_n3A_506 = arith.select %gt3A_495, %broadcast_in_dim3A_504, %broadcast_in_dim3A_505 : vector<16xi1>, vector<16xf32>
        %add3A_507 = arith.addf %scan3A_257, %select_n3A_506 : vector<16xf32>
        %add3A_508 = arith.constant 112 : i32
        %add3A_509 = arith.addi %mul3A_261, %add3A_508 : i32
        %get3A_510 = arith.constant 0 : i32
        %get3A_511 = tpu.memref_slice %arg7[%scan3A_165, %get3A_510] : memref<2x16384xf32, #tpu.memory_space<vmem>> -> memref<1x16384xf32, #tpu.memory_space<vmem>>
        %get3A_512 = tpu.memref_squeeze %get3A_511 : memref<1x16384xf32, #tpu.memory_space<vmem>> -> memref<16384xf32, #tpu.memory_space<vmem>>
        %get3A_513 = arith.index_cast %add3A_509 : i32 to index
        %get3A_514 = tpu.vector_load %get3A_512[%get3A_513] {strides = array<i32>} : memref<16384xf32, #tpu.memory_space<vmem>>, vector<16xf32>,
        %get3A_515 = vector.shape_cast %get3A_514 : vector<16xf32> to vector<16xf32>
        %get3A_516 = arith.constant 0 : i32
        %get3A_517 = tpu.memref_slice %arg8[%scan3A_166, %get3A_516] : memref<2x16384xf32, #tpu.memory_space<vmem>> -> memref<1x16384xf32, #tpu.memory_space<vmem>>
        %get3A_518 = tpu.memref_squeeze %get3A_517 : memref<1x16384xf32, #tpu.memory_space<vmem>> -> memref<16384xf32, #tpu.memory_space<vmem>>
        %get3A_519 = arith.index_cast %add3A_509 : i32 to index
        %get3A_520 = tpu.vector_load %get3A_518[%get3A_519] {strides = array<i32>} : memref<16384xf32, #tpu.memory_space<vmem>>, vector<16xf32>,
        %get3A_521 = vector.shape_cast %get3A_520 : vector<16xf32> to vector<16xf32>
        %get3A_522 = arith.constant 0 : i32
        %get3A_523 = tpu.memref_slice %arg9[%scan3A_167, %get3A_522] : memref<2x16384xf32, #tpu.memory_space<vmem>> -> memref<1x16384xf32, #tpu.memory_space<vmem>>
        %get3A_524 = tpu.memref_squeeze %get3A_523 : memref<1x16384xf32, #tpu.memory_space<vmem>> -> memref<16384xf32, #tpu.memory_space<vmem>>
        %get3A_525 = arith.index_cast %add3A_509 : i32 to index
        %get3A_526 = tpu.vector_load %get3A_524[%get3A_525] {strides = array<i32>} : memref<16384xf32, #tpu.memory_space<vmem>>, vector<16xf32>,
        %get3A_527 = vector.shape_cast %get3A_526 : vector<16xf32> to vector<16xf32>
        %abs3A_528 = math.absf %get3A_527 : vector<16xf32>
        %gt3A_529 = arith.constant 0.00999999977 : f32
        %gt3A_530 = vector.broadcast %gt3A_529 : f32 to vector<16xf32>
        %gt3A_531 = arith.cmpf ogt, %abs3A_528, %gt3A_530 : vector<16xf32>
        %sub3A_532 = arith.subf %get3A_515, %get3A_521 : vector<16xf32>
        %mul3A_533 = arith.mulf %sub3A_532, %sub3A_532 : vector<16xf32>
        %jit3A_534 = arith.constant 0.000000e+00 : f32
        %broadcast_in_dim3A_535 = vector.broadcast %jit3A_534 : f32 to vector<16xf32>
        %select_n3A_536 = arith.select %gt3A_531, %mul3A_533, %broadcast_in_dim3A_535 : vector<16xi1>, vector<16xf32>
        %add3A_537 = arith.addf %scan3A_258, %select_n3A_536 : vector<16xf32>
        %jit3A_538 = arith.constant 1.000000e+00 : f32
        %jit3A_539 = arith.constant 0.000000e+00 : f32
        %broadcast_in_dim3A_540 = vector.broadcast %jit3A_538 : f32 to vector<16xf32>
        %broadcast_in_dim3A_541 = vector.broadcast %jit3A_539 : f32 to vector<16xf32>
        %select_n3A_542 = arith.select %gt3A_531, %broadcast_in_dim3A_540, %broadcast_in_dim3A_541 : vector<16xi1>, vector<16xf32>
        %add3A_543 = arith.addf %scan3A_259, %select_n3A_542 : vector<16xf32>
        scf.yield %add3A_285, %add3A_291, %add3A_321, %add3A_327, %add3A_357, %add3A_363, %add3A_393, %add3A_399, %add3A_429, %add3A_435, %add3A_465, %add3A_471, %add3A_501, %add3A_507, %add3A_537, %add3A_543 : vector<16xf32>, vector<16xf32>, vector<16xf32>, vector<16xf32>, vector<16xf32>, vector<16xf32>, vector<16xf32>, vector<16xf32>, vector<16xf32>, vector<16xf32>, vector<16xf32>, vector<16xf32>, vector<16xf32>, vector<16xf32>, vector<16xf32>, vector<16xf32>
      }
      %scan3A_173 = arith.constant 128 : i32
      %add3A_174 = arith.constant 2 : i32
      %add3A_175 = arith.addi %mul3A_104, %add3A_174 : i32
      %mul3A_176 = arith.constant 16384 : i32
      %mul3A_177 = arith.muli %add3A_175, %mul3A_176 : i32
      %add3A_178 = arith.addi %mul3A_2, %mul3A_177 : i32
      %min3A_179 = arith.minsi %add3A_178, %add3A_4 : i32
      %dma_start3A_180 = arith.constant 0 : i32
      %dma_start3A_181 = arith.constant 0 : i32
      %dma_start3A_182 = tpu.memref_slice %arg7[%dma_start3A_180, %dma_start3A_181] : memref<2x16384xf32, #tpu.memory_space<vmem>> -> memref<1x16384xf32, #tpu.memory_space<vmem>>
      %dma_start3A_183 = tpu.memref_squeeze %dma_start3A_182 : memref<1x16384xf32, #tpu.memory_space<vmem>> -> memref<16384xf32, #tpu.memory_space<vmem>>
      %dma_start3A_184 = tpu.memref_slice %arg2[%min3A_179] : memref<33554432xf32, #tpu.memory_space<hbm>> -> memref<16384xf32, #tpu.memory_space<hbm>>
      %dma_start3A_185 = arith.constant 0 : i32
      %dma_start3A_186 = tpu.memref_slice %arg7[%dma_start3A_180, %dma_start3A_185] : memref<2x16384xf32, #tpu.memory_space<vmem>> -> memref<1x16384xf32, #tpu.memory_space<vmem>>
      %dma_start3A_187 = tpu.memref_squeeze %dma_start3A_186 : memref<1x16384xf32, #tpu.memory_space<vmem>> -> memref<16384xf32, #tpu.memory_space<vmem>>
      %dma_start3A_188 = tpu.memref_slice %arg2[%min3A_179] : memref<33554432xf32, #tpu.memory_space<hbm>> -> memref<16384xf32, #tpu.memory_space<hbm>>
      tpu.enqueue_dma source(%dma_start3A_188 : memref<16384xf32, #tpu.memory_space<hbm>>) target(%dma_start3A_187 : memref<16384xf32, #tpu.memory_space<vmem>>) target_semaphore(%arg12 : memref<!tpu.dma_semaphore, #tpu.memory_space<semaphore_mem>>)
      %dma_start3A_189 = arith.constant 0 : i32
      %dma_start3A_190 = arith.constant 0 : i32
      %dma_start3A_191 = tpu.memref_slice %arg8[%dma_start3A_189, %dma_start3A_190] : memref<2x16384xf32, #tpu.memory_space<vmem>> -> memref<1x16384xf32, #tpu.memory_space<vmem>>
      %dma_start3A_192 = tpu.memref_squeeze %dma_start3A_191 : memref<1x16384xf32, #tpu.memory_space<vmem>> -> memref<16384xf32, #tpu.memory_space<vmem>>
      %dma_start3A_193 = tpu.memref_slice %arg3[%min3A_179] : memref<33554432xf32, #tpu.memory_space<hbm>> -> memref<16384xf32, #tpu.memory_space<hbm>>
      %dma_start3A_194 = arith.constant 0 : i32
      %dma_start3A_195 = tpu.memref_slice %arg8[%dma_start3A_189, %dma_start3A_194] : memref<2x16384xf32, #tpu.memory_space<vmem>> -> memref<1x16384xf32, #tpu.memory_space<vmem>>
      %dma_start3A_196 = tpu.memref_squeeze %dma_start3A_195 : memref<1x16384xf32, #tpu.memory_space<vmem>> -> memref<16384xf32, #tpu.memory_space<vmem>>
      %dma_start3A_197 = tpu.memref_slice %arg3[%min3A_179] : memref<33554432xf32, #tpu.memory_space<hbm>> -> memref<16384xf32, #tpu.memory_space<hbm>>
      tpu.enqueue_dma source(%dma_start3A_197 : memref<16384xf32, #tpu.memory_space<hbm>>) target(%dma_start3A_196 : memref<16384xf32, #tpu.memory_space<vmem>>) target_semaphore(%arg12 : memref<!tpu.dma_semaphore, #tpu.memory_space<semaphore_mem>>)
      %dma_start3A_198 = arith.constant 0 : i32
      %dma_start3A_199 = arith.constant 0 : i32
      %dma_start3A_200 = tpu.memref_slice %arg9[%dma_start3A_198, %dma_start3A_199] : memref<2x16384xf32, #tpu.memory_space<vmem>> -> memref<1x16384xf32, #tpu.memory_space<vmem>>
      %dma_start3A_201 = tpu.memref_squeeze %dma_start3A_200 : memref<1x16384xf32, #tpu.memory_space<vmem>> -> memref<16384xf32, #tpu.memory_space<vmem>>
      %dma_start3A_202 = tpu.memref_slice %arg4[%min3A_179] : memref<33554432xf32, #tpu.memory_space<hbm>> -> memref<16384xf32, #tpu.memory_space<hbm>>
      %dma_start3A_203 = arith.constant 0 : i32
      %dma_start3A_204 = tpu.memref_slice %arg9[%dma_start3A_198, %dma_start3A_203] : memref<2x16384xf32, #tpu.memory_space<vmem>> -> memref<1x16384xf32, #tpu.memory_space<vmem>>
      %dma_start3A_205 = tpu.memref_squeeze %dma_start3A_204 : memref<1x16384xf32, #tpu.memory_space<vmem>> -> memref<16384xf32, #tpu.memory_space<vmem>>
      %dma_start3A_206 = tpu.memref_slice %arg4[%min3A_179] : memref<33554432xf32, #tpu.memory_space<hbm>> -> memref<16384xf32, #tpu.memory_space<hbm>>
      tpu.enqueue_dma source(%dma_start3A_206 : memref<16384xf32, #tpu.memory_space<hbm>>) target(%dma_start3A_205 : memref<16384xf32, #tpu.memory_space<vmem>>) target_semaphore(%arg12 : memref<!tpu.dma_semaphore, #tpu.memory_space<semaphore_mem>>)
      %dma_wait3A_207 = arith.constant 1 : i32
      %dma_wait3A_208 = arith.constant 0 : i32
      %dma_wait3A_209 = tpu.memref_slice %arg7[%dma_wait3A_207, %dma_wait3A_208] : memref<2x16384xf32, #tpu.memory_space<vmem>> -> memref<1x16384xf32, #tpu.memory_space<vmem>>
      %dma_wait3A_210 = tpu.memref_squeeze %dma_wait3A_209 : memref<1x16384xf32, #tpu.memory_space<vmem>> -> memref<16384xf32, #tpu.memory_space<vmem>>
      %dma_wait3A_211 = tpu.memref_slice %arg2[%mul3A_2] : memref<33554432xf32, #tpu.memory_space<hbm>> -> memref<16384xf32, #tpu.memory_space<hbm>>
      %dma_wait3A_212 = arith.constant 0 : i32
      %dma_wait3A_213 = tpu.memref_slice %arg7[%dma_wait3A_207, %dma_wait3A_212] : memref<2x16384xf32, #tpu.memory_space<vmem>> -> memref<1x16384xf32, #tpu.memory_space<vmem>>
      %dma_wait3A_214 = tpu.memref_squeeze %dma_wait3A_213 : memref<1x16384xf32, #tpu.memory_space<vmem>> -> memref<16384xf32, #tpu.memory_space<vmem>>
      %dma_wait3A_215 = tpu.memref_slice %arg2[%mul3A_2] : memref<33554432xf32, #tpu.memory_space<hbm>> -> memref<16384xf32, #tpu.memory_space<hbm>>
      tpu.wait_dma2 semaphore(%arg13 : memref<!tpu.dma_semaphore, #tpu.memory_space<semaphore_mem>>) src(%dma_wait3A_215 : memref<16384xf32, #tpu.memory_space<hbm>>) dst(%dma_wait3A_214 : memref<16384xf32, #tpu.memory_space<vmem>>)
      %dma_wait3A_216 = arith.constant 1 : i32
      %dma_wait3A_217 = arith.constant 0 : i32
      %dma_wait3A_218 = tpu.memref_slice %arg8[%dma_wait3A_216, %dma_wait3A_217] : memref<2x16384xf32, #tpu.memory_space<vmem>> -> memref<1x16384xf32, #tpu.memory_space<vmem>>
      %dma_wait3A_219 = tpu.memref_squeeze %dma_wait3A_218 : memref<1x16384xf32, #tpu.memory_space<vmem>> -> memref<16384xf32, #tpu.memory_space<vmem>>
      %dma_wait3A_220 = tpu.memref_slice %arg3[%mul3A_2] : memref<33554432xf32, #tpu.memory_space<hbm>> -> memref<16384xf32, #tpu.memory_space<hbm>>
      %dma_wait3A_221 = arith.constant 0 : i32
      %dma_wait3A_222 = tpu.memref_slice %arg8[%dma_wait3A_216, %dma_wait3A_221] : memref<2x16384xf32, #tpu.memory_space<vmem>> -> memref<1x16384xf32, #tpu.memory_space<vmem>>
      %dma_wait3A_223 = tpu.memref_squeeze %dma_wait3A_222 : memref<1x16384xf32, #tpu.memory_space<vmem>> -> memref<16384xf32, #tpu.memory_space<vmem>>
      %dma_wait3A_224 = tpu.memref_slice %arg3[%mul3A_2] : memref<33554432xf32, #tpu.memory_space<hbm>> -> memref<16384xf32, #tpu.memory_space<hbm>>
      tpu.wait_dma2 semaphore(%arg13 : memref<!tpu.dma_semaphore, #tpu.memory_space<semaphore_mem>>) src(%dma_wait3A_224 : memref<16384xf32, #tpu.memory_space<hbm>>) dst(%dma_wait3A_223 : memref<16384xf32, #tpu.memory_space<vmem>>)
      %dma_wait3A_225 = arith.constant 1 : i32
      %dma_wait3A_226 = arith.constant 0 : i32
      %dma_wait3A_227 = tpu.memref_slice %arg9[%dma_wait3A_225, %dma_wait3A_226] : memref<2x16384xf32, #tpu.memory_space<vmem>> -> memref<1x16384xf32, #tpu.memory_space<vmem>>
      %dma_wait3A_228 = tpu.memref_squeeze %dma_wait3A_227 : memref<1x16384xf32, #tpu.memory_space<vmem>> -> memref<16384xf32, #tpu.memory_space<vmem>>
      %dma_wait3A_229 = tpu.memref_slice %arg4[%mul3A_2] : memref<33554432xf32, #tpu.memory_space<hbm>> -> memref<16384xf32, #tpu.memory_space<hbm>>
      %dma_wait3A_230 = arith.constant 0 : i32
      %dma_wait3A_231 = tpu.memref_slice %arg9[%dma_wait3A_225, %dma_wait3A_230] : memref<2x16384xf32, #tpu.memory_space<vmem>> -> memref<1x16384xf32, #tpu.memory_space<vmem>>
      %dma_wait3A_232 = tpu.memref_squeeze %dma_wait3A_231 : memref<1x16384xf32, #tpu.memory_space<vmem>> -> memref<16384xf32, #tpu.memory_space<vmem>>
      %dma_wait3A_233 = tpu.memref_slice %arg4[%mul3A_2] : memref<33554432xf32, #tpu.memory_space<hbm>> -> memref<16384xf32, #tpu.memory_space<hbm>>
      tpu.wait_dma2 semaphore(%arg13 : memref<!tpu.dma_semaphore, #tpu.memory_space<semaphore_mem>>) src(%dma_wait3A_233 : memref<16384xf32, #tpu.memory_space<hbm>>) dst(%dma_wait3A_232 : memref<16384xf32, #tpu.memory_space<vmem>>)
      %scan3A_234 = arith.constant 1 : i32
      %scan3A_235 = arith.constant 1 : i32
      %scan3A_236 = arith.constant 1 : i32
      %scan3A_237 = arith.constant 0 : i32
      %scan3A_238 = arith.constant 128 : i32
      %scan3A_239 = arith.addi %scan3A_237, %scan3A_238 : i32
      %scan3A_240 = arith.constant 1 : i32
      %scan3A_241:16 = scf.for %scan3A_243 = %scan3A_237 to %scan3A_239 step %scan3A_240 iter_args(%scan3A_244 = %scan3A_172#0, %scan3A_245 = %scan3A_172#1, %scan3A_246 = %scan3A_172#2, %scan3A_247 = %scan3A_172#3, %scan3A_248 = %scan3A_172#4, %scan3A_249 = %scan3A_172#5, %scan3A_250 = %scan3A_172#6, %scan3A_251 = %scan3A_172#7, %scan3A_252 = %scan3A_172#8, %scan3A_253 = %scan3A_172#9, %scan3A_254 = %scan3A_172#10, %scan3A_255 = %scan3A_172#11, %scan3A_256 = %scan3A_172#12, %scan3A_257 = %scan3A_172#13, %scan3A_258 = %scan3A_172#14, %scan3A_259 = %scan3A_172#15) -> (vector<16xf32>, vector<16xf32>, vector<16xf32>, vector<16xf32>, vector<16xf32>, vector<16xf32>, vector<16xf32>, vector<16xf32>, vector<16xf32>, vector<16xf32>, vector<16xf32>, vector<16xf32>, vector<16xf32>, vector<16xf32>, vector<16xf32>, vector<16xf32>)  : i32 {
        %mul3A_260 = arith.constant 128 : i32
        %mul3A_261 = arith.muli %scan3A_243, %mul3A_260 : i32
        %add3A_262 = arith.constant 0 : i32
        %add3A_263 = arith.addi %mul3A_261, %add3A_262 : i32
        %get3A = arith.constant 0 : i32
        %get3A_264 = tpu.memref_slice %arg7[%scan3A_234, %get3A] : memref<2x16384xf32, #tpu.memory_space<vmem>> -> memref<1x16384xf32, #tpu.memory_space<vmem>>
        %get3A_265 = tpu.memref_squeeze %get3A_264 : memref<1x16384xf32, #tpu.memory_space<vmem>> -> memref<16384xf32, #tpu.memory_space<vmem>>
        %get3A_266 = arith.index_cast %add3A_263 : i32 to index
        %get3A_267 = tpu.vector_load %get3A_265[%get3A_266] {strides = array<i32>} : memref<16384xf32, #tpu.memory_space<vmem>>, vector<16xf32>,
        %get3A_268 = vector.shape_cast %get3A_267 : vector<16xf32> to vector<16xf32>
        %get3A_269 = arith.constant 0 : i32
        %get3A_270 = tpu.memref_slice %arg8[%scan3A_235, %get3A_269] : memref<2x16384xf32, #tpu.memory_space<vmem>> -> memref<1x16384xf32, #tpu.memory_space<vmem>>
        %get3A_271 = tpu.memref_squeeze %get3A_270 : memref<1x16384xf32, #tpu.memory_space<vmem>> -> memref<16384xf32, #tpu.memory_space<vmem>>
        %get3A_272 = arith.index_cast %add3A_263 : i32 to index
        %get3A_273 = tpu.vector_load %get3A_271[%get3A_272] {strides = array<i32>} : memref<16384xf32, #tpu.memory_space<vmem>>, vector<16xf32>,
        %get3A_274 = vector.shape_cast %get3A_273 : vector<16xf32> to vector<16xf32>
        %get3A_275 = arith.constant 0 : i32
        %get3A_276 = tpu.memref_slice %arg9[%scan3A_236, %get3A_275] : memref<2x16384xf32, #tpu.memory_space<vmem>> -> memref<1x16384xf32, #tpu.memory_space<vmem>>
        %get3A_277 = tpu.memref_squeeze %get3A_276 : memref<1x16384xf32, #tpu.memory_space<vmem>> -> memref<16384xf32, #tpu.memory_space<vmem>>
        %get3A_278 = arith.index_cast %add3A_263 : i32 to index
        %get3A_279 = tpu.vector_load %get3A_277[%get3A_278] {strides = array<i32>} : memref<16384xf32, #tpu.memory_space<vmem>>, vector<16xf32>,
        %get3A_280 = vector.shape_cast %get3A_279 : vector<16xf32> to vector<16xf32>
        %abs3A = math.absf %get3A_280 : vector<16xf32>
        %gt3A = arith.constant 0.00999999977 : f32
        %gt3A_281 = vector.broadcast %gt3A : f32 to vector<16xf32>
        %gt3A_282 = arith.cmpf ogt, %abs3A, %gt3A_281 : vector<16xf32>
        %sub3A = arith.subf %get3A_268, %get3A_274 : vector<16xf32>
        %mul3A_283 = arith.mulf %sub3A, %sub3A : vector<16xf32>
        %jit3A = arith.constant 0.000000e+00 : f32
        %broadcast_in_dim3A_284 = vector.broadcast %jit3A : f32 to vector<16xf32>
        %select_n3A = arith.select %gt3A_282, %mul3A_283, %broadcast_in_dim3A_284 : vector<16xi1>, vector<16xf32>
        %add3A_285 = arith.addf %scan3A_244, %select_n3A : vector<16xf32>
        %jit3A_286 = arith.constant 1.000000e+00 : f32
        %jit3A_287 = arith.constant 0.000000e+00 : f32
        %broadcast_in_dim3A_288 = vector.broadcast %jit3A_286 : f32 to vector<16xf32>
        %broadcast_in_dim3A_289 = vector.broadcast %jit3A_287 : f32 to vector<16xf32>
        %select_n3A_290 = arith.select %gt3A_282, %broadcast_in_dim3A_288, %broadcast_in_dim3A_289 : vector<16xi1>, vector<16xf32>
        %add3A_291 = arith.addf %scan3A_245, %select_n3A_290 : vector<16xf32>
        %add3A_292 = arith.constant 16 : i32
        %add3A_293 = arith.addi %mul3A_261, %add3A_292 : i32
        %get3A_294 = arith.constant 0 : i32
        %get3A_295 = tpu.memref_slice %arg7[%scan3A_234, %get3A_294] : memref<2x16384xf32, #tpu.memory_space<vmem>> -> memref<1x16384xf32, #tpu.memory_space<vmem>>
        %get3A_296 = tpu.memref_squeeze %get3A_295 : memref<1x16384xf32, #tpu.memory_space<vmem>> -> memref<16384xf32, #tpu.memory_space<vmem>>
        %get3A_297 = arith.index_cast %add3A_293 : i32 to index
        %get3A_298 = tpu.vector_load %get3A_296[%get3A_297] {strides = array<i32>} : memref<16384xf32, #tpu.memory_space<vmem>>, vector<16xf32>,
        %get3A_299 = vector.shape_cast %get3A_298 : vector<16xf32> to vector<16xf32>
        %get3A_300 = arith.constant 0 : i32
        %get3A_301 = tpu.memref_slice %arg8[%scan3A_235, %get3A_300] : memref<2x16384xf32, #tpu.memory_space<vmem>> -> memref<1x16384xf32, #tpu.memory_space<vmem>>
        %get3A_302 = tpu.memref_squeeze %get3A_301 : memref<1x16384xf32, #tpu.memory_space<vmem>> -> memref<16384xf32, #tpu.memory_space<vmem>>
        %get3A_303 = arith.index_cast %add3A_293 : i32 to index
        %get3A_304 = tpu.vector_load %get3A_302[%get3A_303] {strides = array<i32>} : memref<16384xf32, #tpu.memory_space<vmem>>, vector<16xf32>,
        %get3A_305 = vector.shape_cast %get3A_304 : vector<16xf32> to vector<16xf32>
        %get3A_306 = arith.constant 0 : i32
        %get3A_307 = tpu.memref_slice %arg9[%scan3A_236, %get3A_306] : memref<2x16384xf32, #tpu.memory_space<vmem>> -> memref<1x16384xf32, #tpu.memory_space<vmem>>
        %get3A_308 = tpu.memref_squeeze %get3A_307 : memref<1x16384xf32, #tpu.memory_space<vmem>> -> memref<16384xf32, #tpu.memory_space<vmem>>
        %get3A_309 = arith.index_cast %add3A_293 : i32 to index
        %get3A_310 = tpu.vector_load %get3A_308[%get3A_309] {strides = array<i32>} : memref<16384xf32, #tpu.memory_space<vmem>>, vector<16xf32>,
        %get3A_311 = vector.shape_cast %get3A_310 : vector<16xf32> to vector<16xf32>
        %abs3A_312 = math.absf %get3A_311 : vector<16xf32>
        %gt3A_313 = arith.constant 0.00999999977 : f32
        %gt3A_314 = vector.broadcast %gt3A_313 : f32 to vector<16xf32>
        %gt3A_315 = arith.cmpf ogt, %abs3A_312, %gt3A_314 : vector<16xf32>
        %sub3A_316 = arith.subf %get3A_299, %get3A_305 : vector<16xf32>
        %mul3A_317 = arith.mulf %sub3A_316, %sub3A_316 : vector<16xf32>
        %jit3A_318 = arith.constant 0.000000e+00 : f32
        %broadcast_in_dim3A_319 = vector.broadcast %jit3A_318 : f32 to vector<16xf32>
        %select_n3A_320 = arith.select %gt3A_315, %mul3A_317, %broadcast_in_dim3A_319 : vector<16xi1>, vector<16xf32>
        %add3A_321 = arith.addf %scan3A_246, %select_n3A_320 : vector<16xf32>
        %jit3A_322 = arith.constant 1.000000e+00 : f32
        %jit3A_323 = arith.constant 0.000000e+00 : f32
        %broadcast_in_dim3A_324 = vector.broadcast %jit3A_322 : f32 to vector<16xf32>
        %broadcast_in_dim3A_325 = vector.broadcast %jit3A_323 : f32 to vector<16xf32>
        %select_n3A_326 = arith.select %gt3A_315, %broadcast_in_dim3A_324, %broadcast_in_dim3A_325 : vector<16xi1>, vector<16xf32>
        %add3A_327 = arith.addf %scan3A_247, %select_n3A_326 : vector<16xf32>
        %add3A_328 = arith.constant 32 : i32
        %add3A_329 = arith.addi %mul3A_261, %add3A_328 : i32
        %get3A_330 = arith.constant 0 : i32
        %get3A_331 = tpu.memref_slice %arg7[%scan3A_234, %get3A_330] : memref<2x16384xf32, #tpu.memory_space<vmem>> -> memref<1x16384xf32, #tpu.memory_space<vmem>>
        %get3A_332 = tpu.memref_squeeze %get3A_331 : memref<1x16384xf32, #tpu.memory_space<vmem>> -> memref<16384xf32, #tpu.memory_space<vmem>>
        %get3A_333 = arith.index_cast %add3A_329 : i32 to index
        %get3A_334 = tpu.vector_load %get3A_332[%get3A_333] {strides = array<i32>} : memref<16384xf32, #tpu.memory_space<vmem>>, vector<16xf32>,
        %get3A_335 = vector.shape_cast %get3A_334 : vector<16xf32> to vector<16xf32>
        %get3A_336 = arith.constant 0 : i32
        %get3A_337 = tpu.memref_slice %arg8[%scan3A_235, %get3A_336] : memref<2x16384xf32, #tpu.memory_space<vmem>> -> memref<1x16384xf32, #tpu.memory_space<vmem>>
        %get3A_338 = tpu.memref_squeeze %get3A_337 : memref<1x16384xf32, #tpu.memory_space<vmem>> -> memref<16384xf32, #tpu.memory_space<vmem>>
        %get3A_339 = arith.index_cast %add3A_329 : i32 to index
        %get3A_340 = tpu.vector_load %get3A_338[%get3A_339] {strides = array<i32>} : memref<16384xf32, #tpu.memory_space<vmem>>, vector<16xf32>,
        %get3A_341 = vector.shape_cast %get3A_340 : vector<16xf32> to vector<16xf32>
        %get3A_342 = arith.constant 0 : i32
        %get3A_343 = tpu.memref_slice %arg9[%scan3A_236, %get3A_342] : memref<2x16384xf32, #tpu.memory_space<vmem>> -> memref<1x16384xf32, #tpu.memory_space<vmem>>
        %get3A_344 = tpu.memref_squeeze %get3A_343 : memref<1x16384xf32, #tpu.memory_space<vmem>> -> memref<16384xf32, #tpu.memory_space<vmem>>
        %get3A_345 = arith.index_cast %add3A_329 : i32 to index
        %get3A_346 = tpu.vector_load %get3A_344[%get3A_345] {strides = array<i32>} : memref<16384xf32, #tpu.memory_space<vmem>>, vector<16xf32>,
        %get3A_347 = vector.shape_cast %get3A_346 : vector<16xf32> to vector<16xf32>
        %abs3A_348 = math.absf %get3A_347 : vector<16xf32>
        %gt3A_349 = arith.constant 0.00999999977 : f32
        %gt3A_350 = vector.broadcast %gt3A_349 : f32 to vector<16xf32>
        %gt3A_351 = arith.cmpf ogt, %abs3A_348, %gt3A_350 : vector<16xf32>
        %sub3A_352 = arith.subf %get3A_335, %get3A_341 : vector<16xf32>
        %mul3A_353 = arith.mulf %sub3A_352, %sub3A_352 : vector<16xf32>
        %jit3A_354 = arith.constant 0.000000e+00 : f32
        %broadcast_in_dim3A_355 = vector.broadcast %jit3A_354 : f32 to vector<16xf32>
        %select_n3A_356 = arith.select %gt3A_351, %mul3A_353, %broadcast_in_dim3A_355 : vector<16xi1>, vector<16xf32>
        %add3A_357 = arith.addf %scan3A_248, %select_n3A_356 : vector<16xf32>
        %jit3A_358 = arith.constant 1.000000e+00 : f32
        %jit3A_359 = arith.constant 0.000000e+00 : f32
        %broadcast_in_dim3A_360 = vector.broadcast %jit3A_358 : f32 to vector<16xf32>
        %broadcast_in_dim3A_361 = vector.broadcast %jit3A_359 : f32 to vector<16xf32>
        %select_n3A_362 = arith.select %gt3A_351, %broadcast_in_dim3A_360, %broadcast_in_dim3A_361 : vector<16xi1>, vector<16xf32>
        %add3A_363 = arith.addf %scan3A_249, %select_n3A_362 : vector<16xf32>
        %add3A_364 = arith.constant 48 : i32
        %add3A_365 = arith.addi %mul3A_261, %add3A_364 : i32
        %get3A_366 = arith.constant 0 : i32
        %get3A_367 = tpu.memref_slice %arg7[%scan3A_234, %get3A_366] : memref<2x16384xf32, #tpu.memory_space<vmem>> -> memref<1x16384xf32, #tpu.memory_space<vmem>>
        %get3A_368 = tpu.memref_squeeze %get3A_367 : memref<1x16384xf32, #tpu.memory_space<vmem>> -> memref<16384xf32, #tpu.memory_space<vmem>>
        %get3A_369 = arith.index_cast %add3A_365 : i32 to index
        %get3A_370 = tpu.vector_load %get3A_368[%get3A_369] {strides = array<i32>} : memref<16384xf32, #tpu.memory_space<vmem>>, vector<16xf32>,
        %get3A_371 = vector.shape_cast %get3A_370 : vector<16xf32> to vector<16xf32>
        %get3A_372 = arith.constant 0 : i32
        %get3A_373 = tpu.memref_slice %arg8[%scan3A_235, %get3A_372] : memref<2x16384xf32, #tpu.memory_space<vmem>> -> memref<1x16384xf32, #tpu.memory_space<vmem>>
        %get3A_374 = tpu.memref_squeeze %get3A_373 : memref<1x16384xf32, #tpu.memory_space<vmem>> -> memref<16384xf32, #tpu.memory_space<vmem>>
        %get3A_375 = arith.index_cast %add3A_365 : i32 to index
        %get3A_376 = tpu.vector_load %get3A_374[%get3A_375] {strides = array<i32>} : memref<16384xf32, #tpu.memory_space<vmem>>, vector<16xf32>,
        %get3A_377 = vector.shape_cast %get3A_376 : vector<16xf32> to vector<16xf32>
        %get3A_378 = arith.constant 0 : i32
        %get3A_379 = tpu.memref_slice %arg9[%scan3A_236, %get3A_378] : memref<2x16384xf32, #tpu.memory_space<vmem>> -> memref<1x16384xf32, #tpu.memory_space<vmem>>
        %get3A_380 = tpu.memref_squeeze %get3A_379 : memref<1x16384xf32, #tpu.memory_space<vmem>> -> memref<16384xf32, #tpu.memory_space<vmem>>
        %get3A_381 = arith.index_cast %add3A_365 : i32 to index
        %get3A_382 = tpu.vector_load %get3A_380[%get3A_381] {strides = array<i32>} : memref<16384xf32, #tpu.memory_space<vmem>>, vector<16xf32>,
        %get3A_383 = vector.shape_cast %get3A_382 : vector<16xf32> to vector<16xf32>
        %abs3A_384 = math.absf %get3A_383 : vector<16xf32>
        %gt3A_385 = arith.constant 0.00999999977 : f32
        %gt3A_386 = vector.broadcast %gt3A_385 : f32 to vector<16xf32>
        %gt3A_387 = arith.cmpf ogt, %abs3A_384, %gt3A_386 : vector<16xf32>
        %sub3A_388 = arith.subf %get3A_371, %get3A_377 : vector<16xf32>
        %mul3A_389 = arith.mulf %sub3A_388, %sub3A_388 : vector<16xf32>
        %jit3A_390 = arith.constant 0.000000e+00 : f32
        %broadcast_in_dim3A_391 = vector.broadcast %jit3A_390 : f32 to vector<16xf32>
        %select_n3A_392 = arith.select %gt3A_387, %mul3A_389, %broadcast_in_dim3A_391 : vector<16xi1>, vector<16xf32>
        %add3A_393 = arith.addf %scan3A_250, %select_n3A_392 : vector<16xf32>
        %jit3A_394 = arith.constant 1.000000e+00 : f32
        %jit3A_395 = arith.constant 0.000000e+00 : f32
        %broadcast_in_dim3A_396 = vector.broadcast %jit3A_394 : f32 to vector<16xf32>
        %broadcast_in_dim3A_397 = vector.broadcast %jit3A_395 : f32 to vector<16xf32>
        %select_n3A_398 = arith.select %gt3A_387, %broadcast_in_dim3A_396, %broadcast_in_dim3A_397 : vector<16xi1>, vector<16xf32>
        %add3A_399 = arith.addf %scan3A_251, %select_n3A_398 : vector<16xf32>
        %add3A_400 = arith.constant 64 : i32
        %add3A_401 = arith.addi %mul3A_261, %add3A_400 : i32
        %get3A_402 = arith.constant 0 : i32
        %get3A_403 = tpu.memref_slice %arg7[%scan3A_234, %get3A_402] : memref<2x16384xf32, #tpu.memory_space<vmem>> -> memref<1x16384xf32, #tpu.memory_space<vmem>>
        %get3A_404 = tpu.memref_squeeze %get3A_403 : memref<1x16384xf32, #tpu.memory_space<vmem>> -> memref<16384xf32, #tpu.memory_space<vmem>>
        %get3A_405 = arith.index_cast %add3A_401 : i32 to index
        %get3A_406 = tpu.vector_load %get3A_404[%get3A_405] {strides = array<i32>} : memref<16384xf32, #tpu.memory_space<vmem>>, vector<16xf32>,
        %get3A_407 = vector.shape_cast %get3A_406 : vector<16xf32> to vector<16xf32>
        %get3A_408 = arith.constant 0 : i32
        %get3A_409 = tpu.memref_slice %arg8[%scan3A_235, %get3A_408] : memref<2x16384xf32, #tpu.memory_space<vmem>> -> memref<1x16384xf32, #tpu.memory_space<vmem>>
        %get3A_410 = tpu.memref_squeeze %get3A_409 : memref<1x16384xf32, #tpu.memory_space<vmem>> -> memref<16384xf32, #tpu.memory_space<vmem>>
        %get3A_411 = arith.index_cast %add3A_401 : i32 to index
        %get3A_412 = tpu.vector_load %get3A_410[%get3A_411] {strides = array<i32>} : memref<16384xf32, #tpu.memory_space<vmem>>, vector<16xf32>,
        %get3A_413 = vector.shape_cast %get3A_412 : vector<16xf32> to vector<16xf32>
        %get3A_414 = arith.constant 0 : i32
        %get3A_415 = tpu.memref_slice %arg9[%scan3A_236, %get3A_414] : memref<2x16384xf32, #tpu.memory_space<vmem>> -> memref<1x16384xf32, #tpu.memory_space<vmem>>
        %get3A_416 = tpu.memref_squeeze %get3A_415 : memref<1x16384xf32, #tpu.memory_space<vmem>> -> memref<16384xf32, #tpu.memory_space<vmem>>
        %get3A_417 = arith.index_cast %add3A_401 : i32 to index
        %get3A_418 = tpu.vector_load %get3A_416[%get3A_417] {strides = array<i32>} : memref<16384xf32, #tpu.memory_space<vmem>>, vector<16xf32>,
        %get3A_419 = vector.shape_cast %get3A_418 : vector<16xf32> to vector<16xf32>
        %abs3A_420 = math.absf %get3A_419 : vector<16xf32>
        %gt3A_421 = arith.constant 0.00999999977 : f32
        %gt3A_422 = vector.broadcast %gt3A_421 : f32 to vector<16xf32>
        %gt3A_423 = arith.cmpf ogt, %abs3A_420, %gt3A_422 : vector<16xf32>
        %sub3A_424 = arith.subf %get3A_407, %get3A_413 : vector<16xf32>
        %mul3A_425 = arith.mulf %sub3A_424, %sub3A_424 : vector<16xf32>
        %jit3A_426 = arith.constant 0.000000e+00 : f32
        %broadcast_in_dim3A_427 = vector.broadcast %jit3A_426 : f32 to vector<16xf32>
        %select_n3A_428 = arith.select %gt3A_423, %mul3A_425, %broadcast_in_dim3A_427 : vector<16xi1>, vector<16xf32>
        %add3A_429 = arith.addf %scan3A_252, %select_n3A_428 : vector<16xf32>
        %jit3A_430 = arith.constant 1.000000e+00 : f32
        %jit3A_431 = arith.constant 0.000000e+00 : f32
        %broadcast_in_dim3A_432 = vector.broadcast %jit3A_430 : f32 to vector<16xf32>
        %broadcast_in_dim3A_433 = vector.broadcast %jit3A_431 : f32 to vector<16xf32>
        %select_n3A_434 = arith.select %gt3A_423, %broadcast_in_dim3A_432, %broadcast_in_dim3A_433 : vector<16xi1>, vector<16xf32>
        %add3A_435 = arith.addf %scan3A_253, %select_n3A_434 : vector<16xf32>
        %add3A_436 = arith.constant 80 : i32
        %add3A_437 = arith.addi %mul3A_261, %add3A_436 : i32
        %get3A_438 = arith.constant 0 : i32
        %get3A_439 = tpu.memref_slice %arg7[%scan3A_234, %get3A_438] : memref<2x16384xf32, #tpu.memory_space<vmem>> -> memref<1x16384xf32, #tpu.memory_space<vmem>>
        %get3A_440 = tpu.memref_squeeze %get3A_439 : memref<1x16384xf32, #tpu.memory_space<vmem>> -> memref<16384xf32, #tpu.memory_space<vmem>>
        %get3A_441 = arith.index_cast %add3A_437 : i32 to index
        %get3A_442 = tpu.vector_load %get3A_440[%get3A_441] {strides = array<i32>} : memref<16384xf32, #tpu.memory_space<vmem>>, vector<16xf32>,
        %get3A_443 = vector.shape_cast %get3A_442 : vector<16xf32> to vector<16xf32>
        %get3A_444 = arith.constant 0 : i32
        %get3A_445 = tpu.memref_slice %arg8[%scan3A_235, %get3A_444] : memref<2x16384xf32, #tpu.memory_space<vmem>> -> memref<1x16384xf32, #tpu.memory_space<vmem>>
        %get3A_446 = tpu.memref_squeeze %get3A_445 : memref<1x16384xf32, #tpu.memory_space<vmem>> -> memref<16384xf32, #tpu.memory_space<vmem>>
        %get3A_447 = arith.index_cast %add3A_437 : i32 to index
        %get3A_448 = tpu.vector_load %get3A_446[%get3A_447] {strides = array<i32>} : memref<16384xf32, #tpu.memory_space<vmem>>, vector<16xf32>,
        %get3A_449 = vector.shape_cast %get3A_448 : vector<16xf32> to vector<16xf32>
        %get3A_450 = arith.constant 0 : i32
        %get3A_451 = tpu.memref_slice %arg9[%scan3A_236, %get3A_450] : memref<2x16384xf32, #tpu.memory_space<vmem>> -> memref<1x16384xf32, #tpu.memory_space<vmem>>
        %get3A_452 = tpu.memref_squeeze %get3A_451 : memref<1x16384xf32, #tpu.memory_space<vmem>> -> memref<16384xf32, #tpu.memory_space<vmem>>
        %get3A_453 = arith.index_cast %add3A_437 : i32 to index
        %get3A_454 = tpu.vector_load %get3A_452[%get3A_453] {strides = array<i32>} : memref<16384xf32, #tpu.memory_space<vmem>>, vector<16xf32>,
        %get3A_455 = vector.shape_cast %get3A_454 : vector<16xf32> to vector<16xf32>
        %abs3A_456 = math.absf %get3A_455 : vector<16xf32>
        %gt3A_457 = arith.constant 0.00999999977 : f32
        %gt3A_458 = vector.broadcast %gt3A_457 : f32 to vector<16xf32>
        %gt3A_459 = arith.cmpf ogt, %abs3A_456, %gt3A_458 : vector<16xf32>
        %sub3A_460 = arith.subf %get3A_443, %get3A_449 : vector<16xf32>
        %mul3A_461 = arith.mulf %sub3A_460, %sub3A_460 : vector<16xf32>
        %jit3A_462 = arith.constant 0.000000e+00 : f32
        %broadcast_in_dim3A_463 = vector.broadcast %jit3A_462 : f32 to vector<16xf32>
        %select_n3A_464 = arith.select %gt3A_459, %mul3A_461, %broadcast_in_dim3A_463 : vector<16xi1>, vector<16xf32>
        %add3A_465 = arith.addf %scan3A_254, %select_n3A_464 : vector<16xf32>
        %jit3A_466 = arith.constant 1.000000e+00 : f32
        %jit3A_467 = arith.constant 0.000000e+00 : f32
        %broadcast_in_dim3A_468 = vector.broadcast %jit3A_466 : f32 to vector<16xf32>
        %broadcast_in_dim3A_469 = vector.broadcast %jit3A_467 : f32 to vector<16xf32>
        %select_n3A_470 = arith.select %gt3A_459, %broadcast_in_dim3A_468, %broadcast_in_dim3A_469 : vector<16xi1>, vector<16xf32>
        %add3A_471 = arith.addf %scan3A_255, %select_n3A_470 : vector<16xf32>
        %add3A_472 = arith.constant 96 : i32
        %add3A_473 = arith.addi %mul3A_261, %add3A_472 : i32
        %get3A_474 = arith.constant 0 : i32
        %get3A_475 = tpu.memref_slice %arg7[%scan3A_234, %get3A_474] : memref<2x16384xf32, #tpu.memory_space<vmem>> -> memref<1x16384xf32, #tpu.memory_space<vmem>>
        %get3A_476 = tpu.memref_squeeze %get3A_475 : memref<1x16384xf32, #tpu.memory_space<vmem>> -> memref<16384xf32, #tpu.memory_space<vmem>>
        %get3A_477 = arith.index_cast %add3A_473 : i32 to index
        %get3A_478 = tpu.vector_load %get3A_476[%get3A_477] {strides = array<i32>} : memref<16384xf32, #tpu.memory_space<vmem>>, vector<16xf32>,
        %get3A_479 = vector.shape_cast %get3A_478 : vector<16xf32> to vector<16xf32>
        %get3A_480 = arith.constant 0 : i32
        %get3A_481 = tpu.memref_slice %arg8[%scan3A_235, %get3A_480] : memref<2x16384xf32, #tpu.memory_space<vmem>> -> memref<1x16384xf32, #tpu.memory_space<vmem>>
        %get3A_482 = tpu.memref_squeeze %get3A_481 : memref<1x16384xf32, #tpu.memory_space<vmem>> -> memref<16384xf32, #tpu.memory_space<vmem>>
        %get3A_483 = arith.index_cast %add3A_473 : i32 to index
        %get3A_484 = tpu.vector_load %get3A_482[%get3A_483] {strides = array<i32>} : memref<16384xf32, #tpu.memory_space<vmem>>, vector<16xf32>,
        %get3A_485 = vector.shape_cast %get3A_484 : vector<16xf32> to vector<16xf32>
        %get3A_486 = arith.constant 0 : i32
        %get3A_487 = tpu.memref_slice %arg9[%scan3A_236, %get3A_486] : memref<2x16384xf32, #tpu.memory_space<vmem>> -> memref<1x16384xf32, #tpu.memory_space<vmem>>
        %get3A_488 = tpu.memref_squeeze %get3A_487 : memref<1x16384xf32, #tpu.memory_space<vmem>> -> memref<16384xf32, #tpu.memory_space<vmem>>
        %get3A_489 = arith.index_cast %add3A_473 : i32 to index
        %get3A_490 = tpu.vector_load %get3A_488[%get3A_489] {strides = array<i32>} : memref<16384xf32, #tpu.memory_space<vmem>>, vector<16xf32>,
        %get3A_491 = vector.shape_cast %get3A_490 : vector<16xf32> to vector<16xf32>
        %abs3A_492 = math.absf %get3A_491 : vector<16xf32>
        %gt3A_493 = arith.constant 0.00999999977 : f32
        %gt3A_494 = vector.broadcast %gt3A_493 : f32 to vector<16xf32>
        %gt3A_495 = arith.cmpf ogt, %abs3A_492, %gt3A_494 : vector<16xf32>
        %sub3A_496 = arith.subf %get3A_479, %get3A_485 : vector<16xf32>
        %mul3A_497 = arith.mulf %sub3A_496, %sub3A_496 : vector<16xf32>
        %jit3A_498 = arith.constant 0.000000e+00 : f32
        %broadcast_in_dim3A_499 = vector.broadcast %jit3A_498 : f32 to vector<16xf32>
        %select_n3A_500 = arith.select %gt3A_495, %mul3A_497, %broadcast_in_dim3A_499 : vector<16xi1>, vector<16xf32>
        %add3A_501 = arith.addf %scan3A_256, %select_n3A_500 : vector<16xf32>
        %jit3A_502 = arith.constant 1.000000e+00 : f32
        %jit3A_503 = arith.constant 0.000000e+00 : f32
        %broadcast_in_dim3A_504 = vector.broadcast %jit3A_502 : f32 to vector<16xf32>
        %broadcast_in_dim3A_505 = vector.broadcast %jit3A_503 : f32 to vector<16xf32>
        %select_n3A_506 = arith.select %gt3A_495, %broadcast_in_dim3A_504, %broadcast_in_dim3A_505 : vector<16xi1>, vector<16xf32>
        %add3A_507 = arith.addf %scan3A_257, %select_n3A_506 : vector<16xf32>
        %add3A_508 = arith.constant 112 : i32
        %add3A_509 = arith.addi %mul3A_261, %add3A_508 : i32
        %get3A_510 = arith.constant 0 : i32
        %get3A_511 = tpu.memref_slice %arg7[%scan3A_234, %get3A_510] : memref<2x16384xf32, #tpu.memory_space<vmem>> -> memref<1x16384xf32, #tpu.memory_space<vmem>>
        %get3A_512 = tpu.memref_squeeze %get3A_511 : memref<1x16384xf32, #tpu.memory_space<vmem>> -> memref<16384xf32, #tpu.memory_space<vmem>>
        %get3A_513 = arith.index_cast %add3A_509 : i32 to index
        %get3A_514 = tpu.vector_load %get3A_512[%get3A_513] {strides = array<i32>} : memref<16384xf32, #tpu.memory_space<vmem>>, vector<16xf32>,
        %get3A_515 = vector.shape_cast %get3A_514 : vector<16xf32> to vector<16xf32>
        %get3A_516 = arith.constant 0 : i32
        %get3A_517 = tpu.memref_slice %arg8[%scan3A_235, %get3A_516] : memref<2x16384xf32, #tpu.memory_space<vmem>> -> memref<1x16384xf32, #tpu.memory_space<vmem>>
        %get3A_518 = tpu.memref_squeeze %get3A_517 : memref<1x16384xf32, #tpu.memory_space<vmem>> -> memref<16384xf32, #tpu.memory_space<vmem>>
        %get3A_519 = arith.index_cast %add3A_509 : i32 to index
        %get3A_520 = tpu.vector_load %get3A_518[%get3A_519] {strides = array<i32>} : memref<16384xf32, #tpu.memory_space<vmem>>, vector<16xf32>,
        %get3A_521 = vector.shape_cast %get3A_520 : vector<16xf32> to vector<16xf32>
        %get3A_522 = arith.constant 0 : i32
        %get3A_523 = tpu.memref_slice %arg9[%scan3A_236, %get3A_522] : memref<2x16384xf32, #tpu.memory_space<vmem>> -> memref<1x16384xf32, #tpu.memory_space<vmem>>
        %get3A_524 = tpu.memref_squeeze %get3A_523 : memref<1x16384xf32, #tpu.memory_space<vmem>> -> memref<16384xf32, #tpu.memory_space<vmem>>
        %get3A_525 = arith.index_cast %add3A_509 : i32 to index
        %get3A_526 = tpu.vector_load %get3A_524[%get3A_525] {strides = array<i32>} : memref<16384xf32, #tpu.memory_space<vmem>>, vector<16xf32>,
        %get3A_527 = vector.shape_cast %get3A_526 : vector<16xf32> to vector<16xf32>
        %abs3A_528 = math.absf %get3A_527 : vector<16xf32>
        %gt3A_529 = arith.constant 0.00999999977 : f32
        %gt3A_530 = vector.broadcast %gt3A_529 : f32 to vector<16xf32>
        %gt3A_531 = arith.cmpf ogt, %abs3A_528, %gt3A_530 : vector<16xf32>
        %sub3A_532 = arith.subf %get3A_515, %get3A_521 : vector<16xf32>
        %mul3A_533 = arith.mulf %sub3A_532, %sub3A_532 : vector<16xf32>
        %jit3A_534 = arith.constant 0.000000e+00 : f32
        %broadcast_in_dim3A_535 = vector.broadcast %jit3A_534 : f32 to vector<16xf32>
        %select_n3A_536 = arith.select %gt3A_531, %mul3A_533, %broadcast_in_dim3A_535 : vector<16xi1>, vector<16xf32>
        %add3A_537 = arith.addf %scan3A_258, %select_n3A_536 : vector<16xf32>
        %jit3A_538 = arith.constant 1.000000e+00 : f32
        %jit3A_539 = arith.constant 0.000000e+00 : f32
        %broadcast_in_dim3A_540 = vector.broadcast %jit3A_538 : f32 to vector<16xf32>
        %broadcast_in_dim3A_541 = vector.broadcast %jit3A_539 : f32 to vector<16xf32>
        %select_n3A_542 = arith.select %gt3A_531, %broadcast_in_dim3A_540, %broadcast_in_dim3A_541 : vector<16xi1>, vector<16xf32>
        %add3A_543 = arith.addf %scan3A_259, %select_n3A_542 : vector<16xf32>
        scf.yield %add3A_285, %add3A_291, %add3A_321, %add3A_327, %add3A_357, %add3A_363, %add3A_393, %add3A_399, %add3A_429, %add3A_435, %add3A_465, %add3A_471, %add3A_501, %add3A_507, %add3A_537, %add3A_543 : vector<16xf32>, vector<16xf32>, vector<16xf32>, vector<16xf32>, vector<16xf32>, vector<16xf32>, vector<16xf32>, vector<16xf32>, vector<16xf32>, vector<16xf32>, vector<16xf32>, vector<16xf32>, vector<16xf32>, vector<16xf32>, vector<16xf32>, vector<16xf32>
      }
      %scan3A_242 = arith.constant 128 : i32
      scf.yield %scan3A_241#0, %scan3A_241#1, %scan3A_241#2, %scan3A_241#3, %scan3A_241#4, %scan3A_241#5, %scan3A_241#6, %scan3A_241#7, %scan3A_241#8, %scan3A_241#9, %scan3A_241#10, %scan3A_241#11, %scan3A_241#12, %scan3A_241#13, %scan3A_241#14, %scan3A_241#15 : vector<16xf32>, vector<16xf32>, vector<16xf32>, vector<16xf32>, vector<16xf32>, vector<16xf32>, vector<16xf32>, vector<16xf32>, vector<16xf32>, vector<16xf32>, vector<16xf32>, vector<16xf32>, vector<16xf32>, vector<16xf32>, vector<16xf32>, vector<16xf32>
    }
    %scan3A_38 = arith.constant 32 : i32
    %dma_wait3A = arith.constant 0 : i32
    %dma_wait3A_39 = arith.constant 0 : i32
    %dma_wait3A_40 = tpu.memref_slice %arg7[%dma_wait3A, %dma_wait3A_39] : memref<2x16384xf32, #tpu.memory_space<vmem>> -> memref<1x16384xf32, #tpu.memory_space<vmem>>
    %dma_wait3A_41 = tpu.memref_squeeze %dma_wait3A_40 : memref<1x16384xf32, #tpu.memory_space<vmem>> -> memref<16384xf32, #tpu.memory_space<vmem>>
    %dma_wait3A_42 = tpu.memref_slice %arg2[%mul3A_2] : memref<33554432xf32, #tpu.memory_space<hbm>> -> memref<16384xf32, #tpu.memory_space<hbm>>
    %dma_wait3A_43 = arith.constant 0 : i32
    %dma_wait3A_44 = tpu.memref_slice %arg7[%dma_wait3A, %dma_wait3A_43] : memref<2x16384xf32, #tpu.memory_space<vmem>> -> memref<1x16384xf32, #tpu.memory_space<vmem>>
    %dma_wait3A_45 = tpu.memref_squeeze %dma_wait3A_44 : memref<1x16384xf32, #tpu.memory_space<vmem>> -> memref<16384xf32, #tpu.memory_space<vmem>>
    %dma_wait3A_46 = tpu.memref_slice %arg2[%mul3A_2] : memref<33554432xf32, #tpu.memory_space<hbm>> -> memref<16384xf32, #tpu.memory_space<hbm>>
    tpu.wait_dma2 semaphore(%arg12 : memref<!tpu.dma_semaphore, #tpu.memory_space<semaphore_mem>>) src(%dma_wait3A_46 : memref<16384xf32, #tpu.memory_space<hbm>>) dst(%dma_wait3A_45 : memref<16384xf32, #tpu.memory_space<vmem>>)
    %dma_wait3A_47 = arith.constant 0 : i32
    %dma_wait3A_48 = arith.constant 0 : i32
    %dma_wait3A_49 = tpu.memref_slice %arg8[%dma_wait3A_47, %dma_wait3A_48] : memref<2x16384xf32, #tpu.memory_space<vmem>> -> memref<1x16384xf32, #tpu.memory_space<vmem>>
    %dma_wait3A_50 = tpu.memref_squeeze %dma_wait3A_49 : memref<1x16384xf32, #tpu.memory_space<vmem>> -> memref<16384xf32, #tpu.memory_space<vmem>>
    %dma_wait3A_51 = tpu.memref_slice %arg3[%mul3A_2] : memref<33554432xf32, #tpu.memory_space<hbm>> -> memref<16384xf32, #tpu.memory_space<hbm>>
    %dma_wait3A_52 = arith.constant 0 : i32
    %dma_wait3A_53 = tpu.memref_slice %arg8[%dma_wait3A_47, %dma_wait3A_52] : memref<2x16384xf32, #tpu.memory_space<vmem>> -> memref<1x16384xf32, #tpu.memory_space<vmem>>
    %dma_wait3A_54 = tpu.memref_squeeze %dma_wait3A_53 : memref<1x16384xf32, #tpu.memory_space<vmem>> -> memref<16384xf32, #tpu.memory_space<vmem>>
    %dma_wait3A_55 = tpu.memref_slice %arg3[%mul3A_2] : memref<33554432xf32, #tpu.memory_space<hbm>> -> memref<16384xf32, #tpu.memory_space<hbm>>
    tpu.wait_dma2 semaphore(%arg12 : memref<!tpu.dma_semaphore, #tpu.memory_space<semaphore_mem>>) src(%dma_wait3A_55 : memref<16384xf32, #tpu.memory_space<hbm>>) dst(%dma_wait3A_54 : memref<16384xf32, #tpu.memory_space<vmem>>)
    %dma_wait3A_56 = arith.constant 0 : i32
    %dma_wait3A_57 = arith.constant 0 : i32
    %dma_wait3A_58 = tpu.memref_slice %arg9[%dma_wait3A_56, %dma_wait3A_57] : memref<2x16384xf32, #tpu.memory_space<vmem>> -> memref<1x16384xf32, #tpu.memory_space<vmem>>
    %dma_wait3A_59 = tpu.memref_squeeze %dma_wait3A_58 : memref<1x16384xf32, #tpu.memory_space<vmem>> -> memref<16384xf32, #tpu.memory_space<vmem>>
    %dma_wait3A_60 = tpu.memref_slice %arg4[%mul3A_2] : memref<33554432xf32, #tpu.memory_space<hbm>> -> memref<16384xf32, #tpu.memory_space<hbm>>
    %dma_wait3A_61 = arith.constant 0 : i32
    %dma_wait3A_62 = tpu.memref_slice %arg9[%dma_wait3A_56, %dma_wait3A_61] : memref<2x16384xf32, #tpu.memory_space<vmem>> -> memref<1x16384xf32, #tpu.memory_space<vmem>>
    %dma_wait3A_63 = tpu.memref_squeeze %dma_wait3A_62 : memref<1x16384xf32, #tpu.memory_space<vmem>> -> memref<16384xf32, #tpu.memory_space<vmem>>
    %dma_wait3A_64 = tpu.memref_slice %arg4[%mul3A_2] : memref<33554432xf32, #tpu.memory_space<hbm>> -> memref<16384xf32, #tpu.memory_space<hbm>>
    tpu.wait_dma2 semaphore(%arg12 : memref<!tpu.dma_semaphore, #tpu.memory_space<semaphore_mem>>) src(%dma_wait3A_64 : memref<16384xf32, #tpu.memory_space<hbm>>) dst(%dma_wait3A_63 : memref<16384xf32, #tpu.memory_space<vmem>>)
    %add3A_65 = arith.addf %scan3A_37#0, %scan3A_37#2 : vector<16xf32>
    %add3A_66 = arith.addf %add3A_65, %scan3A_37#4 : vector<16xf32>
    %add3A_67 = arith.addf %add3A_66, %scan3A_37#6 : vector<16xf32>
    %add3A_68 = arith.addf %add3A_67, %scan3A_37#8 : vector<16xf32>
    %add3A_69 = arith.addf %add3A_68, %scan3A_37#10 : vector<16xf32>
    %add3A_70 = arith.addf %add3A_69, %scan3A_37#12 : vector<16xf32>
    %add3A_71 = arith.addf %add3A_70, %scan3A_37#14 : vector<16xf32>
    %add3A_72 = arith.addf %scan3A_37#1, %scan3A_37#3 : vector<16xf32>
    %add3A_73 = arith.addf %add3A_72, %scan3A_37#5 : vector<16xf32>
    %add3A_74 = arith.addf %add3A_73, %scan3A_37#7 : vector<16xf32>
    %add3A_75 = arith.addf %add3A_74, %scan3A_37#9 : vector<16xf32>
    %add3A_76 = arith.addf %add3A_75, %scan3A_37#11 : vector<16xf32>
    %add3A_77 = arith.addf %add3A_76, %scan3A_37#13 : vector<16xf32>
    %add3A_78 = arith.addf %add3A_77, %scan3A_37#15 : vector<16xf32>
    %swap3A = arith.constant 0 : index
    %swap3A_79 = tpu.vector_load %arg10[%swap3A] {strides = array<i32>} : memref<16xf32, #tpu.memory_space<vmem>>, vector<16xf32>,
    %swap3A_80 = vector.shape_cast %swap3A_79 : vector<16xf32> to vector<16xf32>
    %swap3A_81 = vector.shape_cast %add3A_71 : vector<16xf32> to vector<16xf32>
    tpu.vector_store %arg10[%swap3A], %swap3A_81 {strides = array<i32>} : memref<16xf32, #tpu.memory_space<vmem>>, vector<16xf32>,
    %swap3A_82 = arith.constant 0 : index
    %swap3A_83 = tpu.vector_load %arg11[%swap3A_82] {strides = array<i32>} : memref<16xf32, #tpu.memory_space<vmem>>, vector<16xf32>,
    %swap3A_84 = vector.shape_cast %swap3A_83 : vector<16xf32> to vector<16xf32>
    %swap3A_85 = vector.shape_cast %add3A_78 : vector<16xf32> to vector<16xf32>
    tpu.vector_store %arg11[%swap3A_82], %swap3A_85 {strides = array<i32>} : memref<16xf32, #tpu.memory_space<vmem>>, vector<16xf32>,
    "tpu.region"() ({
      %run_scoped3A = tpu.sem_alloc : memref<!tpu.dma_semaphore, #tpu.memory_space<semaphore_mem>>
      %dma_start3A_86 = arith.constant 0 : i32
      %dma_start3A_87 = tpu.memref_slice %arg5[%add3A, %dma_start3A_86] : memref<32x16xf32, #tpu.memory_space<hbm>> -> memref<1x16xf32, #tpu.memory_space<hbm>>
      %dma_start3A_88 = tpu.memref_squeeze %dma_start3A_87 : memref<1x16xf32, #tpu.memory_space<hbm>> -> memref<16xf32, #tpu.memory_space<hbm>>
      %dma_start3A_89 = arith.constant 0 : i32
      %dma_start3A_90 = tpu.memref_slice %arg5[%add3A, %dma_start3A_89] : memref<32x16xf32, #tpu.memory_space<hbm>> -> memref<1x16xf32, #tpu.memory_space<hbm>>
      %dma_start3A_91 = tpu.memref_squeeze %dma_start3A_90 : memref<1x16xf32, #tpu.memory_space<hbm>> -> memref<16xf32, #tpu.memory_space<hbm>>
      tpu.enqueue_dma source(%arg10 : memref<16xf32, #tpu.memory_space<vmem>>) target(%dma_start3A_91 : memref<16xf32, #tpu.memory_space<hbm>>) target_semaphore(%run_scoped3A : memref<!tpu.dma_semaphore, #tpu.memory_space<semaphore_mem>>)
      %dma_wait3A_92 = arith.constant 0 : i32
      %dma_wait3A_93 = tpu.memref_slice %arg5[%add3A, %dma_wait3A_92] : memref<32x16xf32, #tpu.memory_space<hbm>> -> memref<1x16xf32, #tpu.memory_space<hbm>>
      %dma_wait3A_94 = tpu.memref_squeeze %dma_wait3A_93 : memref<1x16xf32, #tpu.memory_space<hbm>> -> memref<16xf32, #tpu.memory_space<hbm>>
      %dma_wait3A_95 = arith.constant 0 : i32
      %dma_wait3A_96 = tpu.memref_slice %arg5[%add3A, %dma_wait3A_95] : memref<32x16xf32, #tpu.memory_space<hbm>> -> memref<1x16xf32, #tpu.memory_space<hbm>>
      %dma_wait3A_97 = tpu.memref_squeeze %dma_wait3A_96 : memref<1x16xf32, #tpu.memory_space<hbm>> -> memref<16xf32, #tpu.memory_space<hbm>>
      tpu.wait_dma2 semaphore(%run_scoped3A : memref<!tpu.dma_semaphore, #tpu.memory_space<semaphore_mem>>) src(%arg10 : memref<16xf32, #tpu.memory_space<vmem>>) dst(%dma_wait3A_97 : memref<16xf32, #tpu.memory_space<hbm>>)
      tpu.yield
    }) : () -> ()
    "tpu.region"() ({
      %run_scoped3A = tpu.sem_alloc : memref<!tpu.dma_semaphore, #tpu.memory_space<semaphore_mem>>
      %dma_start3A_86 = arith.constant 0 : i32
      %dma_start3A_87 = tpu.memref_slice %arg6[%add3A, %dma_start3A_86] : memref<32x16xf32, #tpu.memory_space<hbm>> -> memref<1x16xf32, #tpu.memory_space<hbm>>
      %dma_start3A_88 = tpu.memref_squeeze %dma_start3A_87 : memref<1x16xf32, #tpu.memory_space<hbm>> -> memref<16xf32, #tpu.memory_space<hbm>>
      %dma_start3A_89 = arith.constant 0 : i32
      %dma_start3A_90 = tpu.memref_slice %arg6[%add3A, %dma_start3A_89] : memref<32x16xf32, #tpu.memory_space<hbm>> -> memref<1x16xf32, #tpu.memory_space<hbm>>
      %dma_start3A_91 = tpu.memref_squeeze %dma_start3A_90 : memref<1x16xf32, #tpu.memory_space<hbm>> -> memref<16xf32, #tpu.memory_space<hbm>>
      tpu.enqueue_dma source(%arg11 : memref<16xf32, #tpu.memory_space<vmem>>) target(%dma_start3A_91 : memref<16xf32, #tpu.memory_space<hbm>>) target_semaphore(%run_scoped3A : memref<!tpu.dma_semaphore, #tpu.memory_space<semaphore_mem>>)
      %dma_wait3A_92 = arith.constant 0 : i32
      %dma_wait3A_93 = tpu.memref_slice %arg6[%add3A, %dma_wait3A_92] : memref<32x16xf32, #tpu.memory_space<hbm>> -> memref<1x16xf32, #tpu.memory_space<hbm>>
      %dma_wait3A_94 = tpu.memref_squeeze %dma_wait3A_93 : memref<1x16xf32, #tpu.memory_space<hbm>> -> memref<16xf32, #tpu.memory_space<hbm>>
      %dma_wait3A_95 = arith.constant 0 : i32
      %dma_wait3A_96 = tpu.memref_slice %arg6[%add3A, %dma_wait3A_95] : memref<32x16xf32, #tpu.memory_space<hbm>> -> memref<1x16xf32, #tpu.memory_space<hbm>>
      %dma_wait3A_97 = tpu.memref_squeeze %dma_wait3A_96 : memref<1x16xf32, #tpu.memory_space<hbm>> -> memref<16xf32, #tpu.memory_space<hbm>>
      tpu.wait_dma2 semaphore(%run_scoped3A : memref<!tpu.dma_semaphore, #tpu.memory_space<semaphore_mem>>) src(%arg11 : memref<16xf32, #tpu.memory_space<vmem>>) dst(%dma_wait3A_97 : memref<16xf32, #tpu.memory_space<hbm>>)
      tpu.yield
    }) : () -> ()
    return
  }
}

module attributes {stable_mosaic.version = 14 : i64} {
  func.func @body(%arg0: memref<32x16xf32, #tpu.memory_space<vmem>>, %arg1: memref<32x16xf32, #tpu.memory_space<vmem>>, %arg2: memref<1x1xf32, #tpu.memory_space<smem>>) attributes {dimension_semantics = [], scalar_prefetch = 0 : i64, scratch_operands = 0 : i64, tpu.core_type = #tpu.core_type<tc>} {
    %get3A = arith.constant 0 : index
    %get3A_0 = arith.constant 0 : index
    %get3A_1 = vector.load %arg0[%get3A, %get3A_0] : memref<32x16xf32, #tpu.memory_space<vmem>>, vector<32x16xf32>
    %reduce_sum3A = vector.shape_cast %get3A_1 : vector<32x16xf32> to vector<1x32x16xf32>
    %reduce_sum3A_2 = arith.constant dense<0.000000e+00> : vector<1xf32>
    %reduce_sum3A_3 = vector.multi_reduction <add>, %reduce_sum3A, %reduce_sum3A_2 [1, 2] : vector<1x32x16xf32> to vector<1xf32>
    %reduce_sum3A_4 = vector.shape_cast %reduce_sum3A_3 : vector<1xf32> to vector<1x1x1xf32>
    %reduce_sum3A_5 = vector.extract %reduce_sum3A_4[0, 0, 0] : f32 from vector<1x1x1xf32>
    %get3A_6 = arith.constant 0 : index
    %get3A_7 = arith.constant 0 : index
    %get3A_8 = vector.load %arg1[%get3A_6, %get3A_7] : memref<32x16xf32, #tpu.memory_space<vmem>>, vector<32x16xf32>
    %reduce_sum3A_9 = vector.shape_cast %get3A_8 : vector<32x16xf32> to vector<1x32x16xf32>
    %reduce_sum3A_10 = arith.constant dense<0.000000e+00> : vector<1xf32>
    %reduce_sum3A_11 = vector.multi_reduction <add>, %reduce_sum3A_9, %reduce_sum3A_10 [1, 2] : vector<1x32x16xf32> to vector<1xf32>
    %reduce_sum3A_12 = vector.shape_cast %reduce_sum3A_11 : vector<1xf32> to vector<1x1x1xf32>
    %reduce_sum3A_13 = vector.extract %reduce_sum3A_12[0, 0, 0] : f32 from vector<1x1x1xf32>
    %div3A = arith.divf %reduce_sum3A_5, %reduce_sum3A_13 : f32
    %swap3A = arith.constant 0 : index
    %swap3A_14 = arith.constant 0 : index
    %swap3A_15 = memref.load %arg2[%swap3A, %swap3A_14] : memref<1x1xf32, #tpu.memory_space<smem>>
    memref.store %div3A, %arg2[%swap3A, %swap3A_14] : memref<1x1xf32, #tpu.memory_space<smem>>
    return
  }
}

</mosaic_0001>

<sc_bundles>
// kernel: kernel.4.cloned.1.call-start
scs
__scs_entry_jumppad:
0x0: {  	(pc) =	sbr.rel $0x88, $3  }
0x1: {  	(tag) =	ssettag $0x0;
	lr =	simm.s32 $0x1  }
0x2: {  	[smem:$0x3F9E] =	sst lr;
	_ =	strace $0xD0000000  }
0x3: {  	_ = 	snop  }
0x4: {  	_ = 	snop  }
0x5: {  	_ = 	snop  }
0x6: {  	_ = 	snop  }
0x7: {  	_ = 	snop  }
__scs_overlays_trampoline_lowered:
0x8: {  	[smem:$0x3FAD] =	sst s0  }
0x9: {  	[smem:$0x3FAE] =	sst s1  }
0xa: {  	[smem:$0x3FAF] =	sst s2  }
0xb: {  	[smem:$0x3FB0] =	sst s3  }
0xc: {  	[smem:$0x3FB1] =	sst s4  }
0xd: {  	[smem:$0x3FB2] =	sst s5  }
0xe: {  	[smem:$0x3FB3] =	sst s6  }
0xf: {  	[smem:$0x3FB4] =	sst s7  }
0x10: {  	[smem:$0x3FB5] =	sst s8  }
0x11: {  	[smem:$0x3FB6] =	sst s9;
	s0 =	simm.s32 @!p0 $0x0  }
0x12: {  	s1 =	sld [smem:$0x3F9C];
	s0 =	simm.s32 @p0 $0x1  }
0x13: {  	[smem:$0x3FB7] =	sst s0;
	s0 =	simm.s32 @!p1 $0x0  }
0x14: {  	s2 =	sld [smem:$0x3F9B];
	s0 =	simm.s32 @p1 $0x1  }
0x15: {  	[smem:$0x3FB8] =	sst s0;
	s0 =	simm.s32 @!p2 $0x0  }
0x16: {  	s3 =	sld [smem:$0x3FDB];
	s0 =	simm.s32 @p2 $0x1  }
0x17: {  	s4 =	simm.s32 $0x1BF5;
	[smem:$0x3FBA] =	sst s0  }
0x18: {  	s0 =	sld [smem:$0x3F9D];
	_ =	swait.ge [sflag:s4], $0x0  }
0x19: {  	s7 =	sld [smem:$0x3F9E]  }
0x1a: {  	s8 =	sadd.s32 $0xFFFFE003, lr  }
0x1b: {  	s9 =	sadd.s32 $0xFFFFFEF7, lr;
	s5 =	simm.s32 $0xFFFFFFFF;
	p2 =	slt.u32 s8, $0xFFFFF086  }
0x1c: {  	p1 =	slt.u32 s9, $0xF7A;
	s5 =	simm.s32 @!p2 $0x0  }
0x1d: {  	s5 =	simm.s32 @p1 $0x1;
	p0 =	seq.s32 s7, s2  }
0x1e: {  	s7 =	smul.u32 @!p0 $0xF7A, s2;
	p2 =	seq.s32 @!p0 s5, $0x0  }
0x1f: {  	s9 =	smul.u32 $0xF7A, s1;
	s8 =	simm.s32 @!p0 $0x1BF5;
	p2 =	por !p2, p0  }
0x20: {  	[sflag:s8] =	ssyncset.s32 @!p0 $0xFFFFF086;
	s6 =	sadd.s32 @!p0 s3, s7;
	s7 =	simm.s32 @!p0 $0x108  }
0x21: {  	s3 =	sadd.s32 s3, s9;
	s6 =	sadd.s32 @!p0 $0x88, s6;
	s7 =	simm.s32 @p2 $0x1082  }
0x22: {  	[simem:s7], [sflag:s8] =	dma.local @!p0 [hbm:s6], $0xF7A  }
0x23: {  	s9 =	sor.u32 $0xD0000000, s2;
	s6 =	simm.s32 $0x108;
	_ =	swait.ge @!p0 [sflag:s8], $0x0  }
0x24: {  	s3 =	sadd.s32 $0x88, s3;
	s6 =	simm.s32 @!p1 $0x1082;
	[sflag:s4] =	ssyncset.s32 $0xFFFFF086  }
0x25: {  	[simem:s6], [sflag:s4] =	dma.local [hbm:s3], $0xF7A  }
0x26: {  	[smem:$0x3F9E] =	sst s1;
	(tag) =	ssettag s2;
	_ =	strace s9  }
0x27: {  	s1 =	sld [smem:$0x3FAE]  }
0x28: {  	s2 =	sld [smem:$0x3FAF]  }
0x29: {  	s4 =	sld [smem:$0x3FB1]  }
0x2a: {  	p0 =	seq.s32 s5, $0x0;
	s5 =	sld [smem:$0x3FB2]  }
0x2b: {  	s6 =	sld [smem:$0x3FB3]  }
0x2c: {  	s7 =	sld [smem:$0x3FB4]  }
0x2d: {  	s3 =	simm.s32 $0x108;
	s8 =	sld [smem:$0x3FB5]  }
0x2e: {  	s3 =	simm.s32 @!p0 $0x1082;
	s9 =	sld [smem:$0x3FB6]  }
0x2f: {  	lr =	sadd.s32 s0, s3;
	s0 =	sld [smem:$0x3FAD]  }
0x30: {  	s3 =	sld [smem:$0x3FB0]  }
0x31: {  	[smem:$0x3FB9] =	sst s10  }
0x32: {  	s10 =	sld [smem:$0x3FB7];
	_ =	sdelay $0x3  }
0x33: {  	p0 =	seq.s32 s10, $0x1;
	s10 =	sld [smem:$0x3FB9];
	_ =	sdelay $0x3  }
0x34: {  	[smem:$0x3FB9] =	sst s10  }
0x35: {  	s10 =	sld [smem:$0x3FB8];
	_ =	sdelay $0x3  }
0x36: {  	p1 =	seq.s32 s10, $0x1;
	s10 =	sld [smem:$0x3FB9];
	_ =	sdelay $0x3  }
0x37: {  	[smem:$0x3FB9] =	sst s10  }
0x38: {  	s10 =	sld [smem:$0x3FBA]  }
0x39: {  	_ = 	snop;
	(pc) =	sbr.ind lr, $3  }
0x3a: {  	_ = 	snop  }
0x3b: {  	_ = 	snop  }
0x3c: {  	p2 =	seq.s32 s10, $0x1;
	s10 =	sld [smem:$0x3FB9]  }
0x3d: {  	_ =	shalt  }
0x3e: {  	_ =	shalt  }
0x3f: {  	_ =	shalt  }
0x40: {  	_ =	shalt  }
0x41: {  	_ =	shalt  }
0x42: {  	_ =	shalt  }
0x43: {  	_ =	shalt  }
0x44: {  	_ =	shalt  }
0x45: {  	_ =	shalt  }
0x46: {  	_ =	shalt  }
0x47: {  	_ =	shalt  }
0x48: {  	_ =	shalt  }
0x49: {  	_ =	shalt  }
0x4a: {  	_ =	shalt  }
0x4b: {  	_ =	shalt  }
0x4c: {  	_ =	shalt  }
0x4d: {  	_ =	shalt  }
0x4e: {  	_ =	shalt  }
0x4f: {  	_ =	shalt  }
0x50: {  	_ =	shalt  }
0x51: {  	_ =	shalt  }
0x52: {  	_ =	shalt  }
0x53: {  	_ =	shalt  }
0x54: {  	_ =	shalt  }
0x55: {  	_ =	shalt  }
0x56: {  	_ =	shalt  }
0x57: {  	_ =	shalt  }
0x58: {  	_ =	shalt  }
0x59: {  	_ =	shalt  }
0x5a: {  	_ =	shalt  }
0x5b: {  	_ =	shalt  }
0x5c: {  	_ =	shalt  }
0x5d: {  	_ =	shalt  }
0x5e: {  	_ =	shalt  }
0x5f: {  	_ =	shalt  }
0x60: {  	_ =	shalt  }
0x61: {  	_ =	shalt  }
0x62: {  	_ =	shalt  }
0x63: {  	_ =	shalt  }
0x64: {  	_ =	shalt  }
0x65: {  	_ =	shalt  }
0x66: {  	_ =	shalt  }
0x67: {  	_ =	shalt  }
0x68: {  	_ =	shalt  }
0x69: {  	_ =	shalt  }
0x6a: {  	_ =	shalt  }
0x6b: {  	_ =	shalt  }
0x6c: {  	_ =	shalt  }
0x6d: {  	_ =	shalt  }
0x6e: {  	_ =	shalt  }
0x6f: {  	_ =	shalt  }
0x70: {  	_ =	shalt  }
0x71: {  	_ =	shalt  }
0x72: {  	_ =	shalt  }
0x73: {  	_ =	shalt  }
0x74: {  	_ =	shalt  }
0x75: {  	_ =	shalt  }
0x76: {  	_ =	shalt  }
0x77: {  	_ =	shalt  }
0x78: {  	_ =	shalt  }
0x79: {  	_ =	shalt  }
0x7a: {  	_ =	shalt  }
0x7b: {  	_ =	shalt  }
0x7c: {  	_ =	shalt  }
0x7d: {  	_ =	shalt  }
0x7e: {  	_ =	shalt  }
0x7f: {  	_ =	shalt  }
0x80: {  	_ =	shalt  }
0x81: {  	_ =	shalt  }
0x82: {  	_ =	shalt  }
0x83: {  	_ =	shalt  }
0x84: {  	_ =	shalt  }
0x85: {  	_ =	shalt  }
0x86: {  	_ =	shalt  }
0x87: {  	_ =	shalt  }
.Lfunc_end0:
.L_simem_size_0:
called_computation.3_lowered:
.L_overlay_start_0:
0x88: {  	s2 =	sld [smem:$0x3FD9]  }
0x89: {  	s3 =	sld [smem:$0x3FFE];
	_ =	sdelay $0x1  }
0x8a: {  	s1 =	srdreg.scid  }
0x8b: {  	s0 =	sand.u32 $0x1, s1  }
0x8c: {  	s16 =	sshll.u32 s0, $0xA;
	s2 =	sadd.s32 s3, s2  }
0x8d: {  	s2 =	sadd.s32 s2, s16  }
0x8e: {  	[smem:$0x3FC5] =	sst s2  }
0x8f: {  	_ = 	snop  }
0x90: {  	(tm) =	ssettm $0x1  }
0x91: {  	s17 =	sld [smem:$0x3FFB];
	_ =	sdelay $0x3  }
0x92: {  	_ =	strace s17  }
0x93: {  	s2 =	sld [smem:$0x3FFC];
	_ =	sdelay $0x3  }
0x94: {  	_ =	strace s2  }
0x95: {  	s2 =	sld [smem:$0x3FFD];
	_ =	sdelay $0x3  }
0x96: {  	_ =	strace s2  }
0x97: {  	_ =	strace $0x8FFFFFFF  }
0x98: {  	s18 =	sld [smem:$0x3FDB];
	_ =	sdelay $0x1  }
0x99: {  	s19 =	simm.s32 $_scs_section_size  }
0x9a: {  	s4 =	simm.s32 $_size__tile_overlayer_lowered;
	s5 =	simm.s32 $_tile_overlayer_lowered  }
0x9b: {  	s22 =	simm.s32 $0x1BFF;
	s21 =	sshll.u32 s5, $0x1;
	s2 =	sadd.s32 s19, s18  }
0x9c: {  	s6 =	simm.s32 $0x0;
	s20 =	sshll.u32 s4, $0x1;
	s4 =	sadd.s32 s21, s2  }
0x9d: {  	[timem:s6], [sflag:s22] =	dma.local [hbm:s4], s20  }
0x9e: {  	_ =	swait.ge [sflag:s22], s20  }
0x9f: {  	s3 =	ssub.s32 $0x0, s20;
	[sflag:s22] =	ssyncset.done $0x0  }
0xa0: {  	[sflag:s22] =	ssyncadd.s32 s3;
	_ =	sdelay $0x1  }
0xa1: {  	s23 =	simm.s32 $0x1B8B  }
0xa2: {  	_ =	swait.ge [sflag:s23], $0x1  }
0xa3: {  	[sflag:s23] =	ssyncset.done $0x0  }
0xa4: {  	s25 =	simm.s32 $0x1B8E;
	s24 =	sld [smem:$0x3FFE];
	[sflag:s23] =	ssyncadd.s32 $0xFFFFFFFF  }
0xa5: {  	s26 =	simm.s32 $execute0_lowered;
	[smem:$0x3FD2] =	sst s25  }
0xa6: {  	s4 =	sshll.u32 s26, $0x1;
	_ =	strace $0x8000004F;
	[dreg:$0x1] =	wrdreg $0xFFFFFFFF  }
0xa7: {  	s28 =	simm.s32 $_size_execute0_lowered;
	s2 =	sadd.s32 s2, s4;
	[dreg:$0x0] =	wrdreg $0x0  }
0xa8: {  	s4 =	sshll.u32 s28, $0x1;
	[dreg:$0x2] =	wrdreg s2  }
0xa9: {  	[dreg:$0x3] =	wrdreg s4  }
0xaa: {  	[dreg:$0x4] =	wrdreg $0xC0  }
0xab: {  	_ =	task [dreg:s6], $0x5FFFF  }
0xac: {  	[dreg:$0x1] =	wrdreg $0xFFFFFFFF  }
0xad: {  	[dreg:$0x0] =	wrdreg $0x60  }
0xae: {  	[dreg:$0x2] =	wrdreg s24  }
0xaf: {  	[dreg:$0x3] =	wrdreg $0x9  }
0xb0: {  	_ =	task.clear_ibuf [dreg:s6], $0x4FFFF;
	_ =	strace $0x9000004F  }
0xb1: {  	s29 =	simm.s32 $0x9;
	_ =	strace $0x80000051  }
0xb2: {  	_ =	swait.ge [sflag:s29], $0x1  }
0xb3: {  	[sflag:s29] =	ssyncadd.s32 $0xFFFFFFFF  }
0xb4: {  	_ =	strace $0x90000051  }
0xb5: {  	_ =	sfence  }
0xb6: {  	s30 =	sld [smem:$0x0];
	_ =	sdelay $0x2  }
0xb7: {  	s31 =	sshll.u32 s1, $0xD;
	s1 =	sshrl.u32 s1, $0x2  }
0xb8: {  	s3 =	sand.u32 $0x4000, s31;
	s1 =	sadd.s32 s1, s30  }
0xb9: {  	s0 =	sor.u32 s3, s0;
	s1 =	sshll.u32 s1, $0x11  }
0xba: {  	s0 =	sor.u32 s1, s0  }
0xbb: {  	s0 =	sadd.s32 $0x8F2B, s0  }
0xbc: {  	[sflag:s0] =	ssyncadd.remote.s32 $0x1  }
0xbd: {  	_ =	sfence.sel $0xFFFF  }
0xbe: {  	[dreg:$0x0] =	wrdreg $0xFFFFFFFF;
	(pc) =	sbr.abs _section_cstart, $3  }
0xbf: {  	[dreg:$0x1] =	wrdreg $0xFFFFFFFF  }
0xc0: {  	_ =	task.clear_ibuf [dreg:s6], $0x2FFFF;
	_ =	strace $0x9FFFFFFF  }
0xc1: {  	(tm) =	ssettm $0x7FFFFFFF  }
tec
execute0_lowered:
.L_overlay_start_1:
0x0: {  	(tag) =	ssettag $0x1  }
0x1: {  	s6 =	rddreg [dreg:$0x0]  }
0x2: {  	s0 =	rddreg [dreg:$0x1]  }
0x3: {  	s2 =	simm.s32 $0x0;
	s3 =	srdreg.scid;
	s1 =	stileid.u32  }
0x4: {  	s15 =	simm.s32 $0x1;
	s16 =	simm.s32 $0x2;
	s17 =	simm.s32 $0x18000  }
0x5: {  	s18 =	simm.s32 $0x3;
	s19 =	simm.s32 $0x18080;
	s20 =	simm.s32 $0x0  }
0x6: {  	[smem:$0x7FF] =	sst s2;
	s5 =	sand.u32 $0x1, s3;
	s4 =	sshll.u32 s1, $0x1  }
0x7: {  	s3 =	sadd.s32 $0x1800, s6;
	_ =	strace $0x80000050;
	s7 =	sor.u32 s5, s4  }
0x8: {  	s4 =	sadd.s32 $0x401800, s6;
	s9 =	ssub.s32 $0x2, s5;
	s5 =	sadd.s32 $0x801800, s6  }
0x9: {  	s8 =	sshll.u32 s7, $0x4;
	s30 =	sshrl.u32 s9, $0x1;
	s14 =	sshll.u32 s7, $0x14  }
0xa: {  	s31 =	sshll.u32 s7, $0x11;
	s12 =	sadd.s32 s8, s6;
	s13 =	ssub.s32 s9, s30  }
0xb: {  	s6 =	sor.u32 $0xFC000, s14;
	s7 =	sadd.s32 s3, s31;
	s8 =	sadd.s32 s4, s31  }
0xc: {  	s9 =	sadd.s32 s5, s31;
	s10 =	sor.u32 $0x8000, s14;
	s14 =	sor.u32 $0x4000, s14  }
0xd: {  	v0 =	vimm.f32 $0.0e+00;
	s11 =	sadd.s32 $0xC01800, s12;
	s12 =	sadd.s32 $0xC01A00, s12;
	s13 =	smax.u32 s13, $0x1  }
.LBB2_1:
0xe: {  	s21 =	simm.s32 $0x10  }
0xf: {  	s24 =	sadd.s32 $0x0, s7;
	s22 =	simm.s32 $0x100;
	s23 =	simm.s32 $0x0  }
.LBB2_2:
0x10: {  	[tilespmem:s23], [sflag:$0x1] =	stream.linear.gather [hbm4b:s24+s2], $0x80, $0x38;
	[tilespmem:$0x18100] =	vst v63  }
0x11: {  	s24 =	smov.u32 s21;
	s23 =	smov.u32 s22;
	p0 =	sne.s32 s21, $0x7F0  }
.Ltmp0:
0x12: {  	s21 =	sadd.s32 $0x10, s21;
	(pc) =	sbr.rel @p0 .LBB2_2-.Ltmp0, $2  }
0x13: {  	_ =	sdelay $0x2  }
0x14: {  	s22 =	sadd.s32 $0x100, s22;
	s24 =	sadd.s32 s24, s7  }
0x15: {  	[tilespmem:s23], [sflag:$0x1] =	stream.linear.gather [hbm4b:s24+s2], $0x80, $0x38;
	[tilespmem:$0x18100] =	vst v63  }
0x16: {  	s21 =	simm.s32 $0x8000  }
0x17: {  	s22 =	simm.s32 $0x10;
	s24 =	sadd.s32 $0x0, s8;
	s23 =	simm.s32 $0x8100  }
.LBB2_4:
0x18: {  	[tilespmem:s21], [sflag:$0x1] =	stream.linear.gather [hbm4b:s24+s2], $0x80, $0x38;
	[tilespmem:$0x18100] =	vst v63  }
0x19: {  	s24 =	smov.u32 s22;
	s21 =	smov.u32 s23;
	p0 =	sne.s32 s22, $0x7F0  }
.Ltmp1:
0x1a: {  	s22 =	sadd.s32 $0x10, s22;
	(pc) =	sbr.rel @p0 .LBB2_4-.Ltmp1, $2  }
0x1b: {  	_ =	sdelay $0x2  }
0x1c: {  	s23 =	sadd.s32 $0x100, s23;
	s24 =	sadd.s32 s24, s8  }
0x1d: {  	[tilespmem:s21], [sflag:$0x1] =	stream.linear.gather [hbm4b:s24+s2], $0x80, $0x38;
	[tilespmem:$0x18100] =	vst v63  }
0x1e: {  	s21 =	simm.s32 $0x0;
	s22 =	simm.s32 $0x10000;
	s23 =	simm.s32 $0x0  }
.LBB2_6:
0x1f: {  	p0 =	sne.s32 s23, $0x7F0  }
.Ltmp2:
0x20: {  	_ = 	snop;
	(pc) =	sbr.rel @p0 .LBB2_6-.Ltmp2, $4  }
0x21: {  	_ = 	snop  }
0x22: {  	s24 =	sadd.s32 s23, s9  }
0x23: {  	[tilespmem:s22], [sflag:$0x1] =	stream.linear.gather [hbm4b:s24+s21], $0x80, $0x38;
	[tilespmem:$0x18100] =	vst v63  }
0x24: {  	s23 =	sadd.s32 $0x10, s23;
	s22 =	sadd.s32 $0x100, s22  }
0x25: {  	v16 =	vimm.f32 $0.0e+00  }
0x26: {  	v15 =	vimm.f32 $0.0e+00;
	v1 =	vimm.f32 $0.0e+00;
	v2 =	vimm.f32 $0.0e+00  }
0x27: {  	v3 =	vimm.f32 $0.0e+00;
	v5 =	vimm.f32 $0.0e+00;
	v4 =	vimm.f32 $0.0e+00  }
0x28: {  	v7 =	vimm.f32 $0.0e+00;
	v6 =	vimm.f32 $0.0e+00;
	v9 =	vimm.f32 $0.0e+00  }
0x29: {  	v8 =	vimm.f32 $0.0e+00;
	v11 =	vimm.f32 $0.0e+00;
	v10 =	vimm.f32 $0.0e+00  }
0x2a: {  	v12 =	vimm.f32 $0.0e+00;
	v13 =	vimm.f32 $0.0e+00;
	v14 =	vimm.f32 $0.0e+00  }
.LBB2_8:
0x2b: {  	s22 =	sshll.u32 s21, $0xF  }
0x2c: {  	s23 =	sor.u32 s14, s22  }
0x2d: {  	s23 =	smin.u32 s23, s6  }
0x2e: {  	s23 =	sshrl.u32 s23, $0x3  }
0x2f: {  	s25 =	simm.s32 $0x80;
	s24 =	sadd.s32 s3, s23  }
0x30: {  	s26 =	simm.s32 $0x10;
	s28 =	simm.s32 $0x180;
	s29 =	sadd.s32 $0x0, s24  }
.LBB2_9:
0x31: {  	[tilespmem:s25], [sflag:$0x2] =	stream.linear.gather [hbm4b:s29+s2], $0x80, $0x38;
	[tilespmem:$0x18100] =	vst v63  }
0x32: {  	s29 =	smov.u32 s26;
	s25 =	smov.u32 s28;
	p0 =	sne.s32 s26, $0x7F0  }
.Ltmp3:
0x33: {  	s26 =	sadd.s32 $0x10, s26;
	(pc) =	sbr.rel @p0 .LBB2_9-.Ltmp3, $2  }
0x34: {  	_ =	sdelay $0x2  }
0x35: {  	s28 =	sadd.s32 $0x100, s28;
	s29 =	sadd.s32 s29, s24  }
0x36: {  	[tilespmem:s25], [sflag:$0x2] =	stream.linear.gather [hbm4b:s29+s2], $0x80, $0x38;
	[tilespmem:$0x18100] =	vst v63  }
0x37: {  	s24 =	sadd.s32 s4, s23;
	s25 =	simm.s32 $0x8080  }
0x38: {  	s26 =	simm.s32 $0x10;
	s28 =	simm.s32 $0x8180;
	s29 =	sadd.s32 $0x0, s24  }
.LBB2_11:
0x39: {  	[tilespmem:s25], [sflag:$0x2] =	stream.linear.gather [hbm4b:s29+s2], $0x80, $0x38;
	[tilespmem:$0x18100] =	vst v63  }
0x3a: {  	s29 =	smov.u32 s26;
	s25 =	smov.u32 s28;
	p0 =	sne.s32 s26, $0x7F0  }
.Ltmp4:
0x3b: {  	s26 =	sadd.s32 $0x10, s26;
	(pc) =	sbr.rel @p0 .LBB2_11-.Ltmp4, $2  }
0x3c: {  	_ =	sdelay $0x2  }
0x3d: {  	s28 =	sadd.s32 $0x100, s28;
	s29 =	sadd.s32 s29, s24  }
0x3e: {  	[tilespmem:s25], [sflag:$0x2] =	stream.linear.gather [hbm4b:s29+s2], $0x80, $0x38;
	[tilespmem:$0x18100] =	vst v63  }
0x3f: {  	s23 =	sadd.s32 s5, s23;
	s24 =	simm.s32 $0x10080  }
0x40: {  	s25 =	simm.s32 $0x10;
	s26 =	simm.s32 $0x10180;
	s28 =	sadd.s32 $0x0, s23  }
.LBB2_13:
0x41: {  	[tilespmem:s24], [sflag:$0x2] =	stream.linear.gather [hbm4b:s28+s2], $0x80, $0x38;
	[tilespmem:$0x18100] =	vst v63  }
0x42: {  	s28 =	smov.u32 s25;
	s24 =	smov.u32 s26;
	p0 =	sne.s32 s25, $0x7F0  }
.Ltmp5:
0x43: {  	s25 =	sadd.s32 $0x10, s25;
	(pc) =	sbr.rel @p0 .LBB2_13-.Ltmp5, $2  }
0x44: {  	_ =	sdelay $0x2  }
0x45: {  	s26 =	sadd.s32 $0x100, s26;
	s28 =	sadd.s32 s28, s23  }
0x46: {  	[tilespmem:s24], [sflag:$0x2] =	stream.linear.gather [hbm4b:s28+s2], $0x80, $0x38;
	[tilespmem:$0x18100] =	vst v63  }
0x47: {  	_ =	swait.ge [sflag:s15], $0x4000  }
0x48: {  	[sflag:s15] =	ssyncset.done $0x0  }
0x49: {  	[sflag:s15] =	ssyncadd.s32 $0xFFFFC000  }
0x4a: {  	_ =	swait.ge [sflag:s15], $0x4000  }
0x4b: {  	[sflag:s15] =	ssyncset.done $0x0  }
0x4c: {  	[sflag:s15] =	ssyncadd.s32 $0xFFFFC000  }
0x4d: {  	_ =	swait.ge [sflag:s15], $0x4000  }
0x4e: {  	[sflag:s15] =	ssyncset.done $0x0  }
0x4f: {  	s31 =	simm.s32 $0x0;
	[sflag:s15] =	ssyncadd.s32 $0xFFFFC000  }
0x50: {  	v17 =	vld [tilespmem:s31+$0x70]  }
0x51: {  	v18 =	vld [tilespmem:s31+$0x8070]  }
0x52: {  	v19 =	vld [tilespmem:s31+$0x0]  }
0x53: {  	v20 =	vld [tilespmem:s31+$0x10070]  }
0x54: {  	v21 =	vld [tilespmem:s31+$0x8000]  }
0x55: {  	v22 =	vld [tilespmem:s31+$0x10]  }
0x56: {  	v23 =	vld [tilespmem:s31+$0x8010]  }
0x57: {  	v24 =	vld [tilespmem:s31+$0x20]  }
0x58: {  	v25 =	vld [tilespmem:s31+$0x8020]  }
0x59: {  	v26 =	vld [tilespmem:s31+$0x30]  }
0x5a: {  	v27 =	vld [tilespmem:s31+$0x8030]  }
0x5b: {  	v28 =	vld [tilespmem:s31+$0x40]  }
0x5c: {  	v29 =	vld [tilespmem:s31+$0x8040]  }
0x5d: {  	v30 =	vld [tilespmem:s31+$0x50]  }
0x5e: {  	v31 =	vld [tilespmem:s31+$0x8050];
	v17 =	vsub.f32 v17, v18  }
0x5f: {  	v32 =	vld [tilespmem:s31+$0x60]  }
0x60: {  	v33 =	vld [tilespmem:s31+$0x8060];
	v18 =	vand.u32 $0x7FFFFFFF, v20;
	v17 =	vmul.f32 v17, v17  }
0x61: {  	v19 =	vsub.f32 v19, v21;
	vm0 =	vgt.f32 v18, $9.999999770e-03;
	v18 =	vsub.f32 v22, v23;
	v22 =	vld [tilespmem:s31+$0x10000]  }
0x62: {  	v20 =	vsub.f32 v26, v27;
	v17 =	vnsel vm0, $0x0, v17  }
0x63: {  	v23 =	vld [tilespmem:s31+$0x10010];
	v34 =	vmul.f32 v19, v19;
	v17 =	vadd.f32 v17, v15  }
0x64: {  	v21 =	vmul.f32 v20, v20;
	v15 =	vsub.f32 v24, v25;
	v25 =	vsub.f32 v28, v29;
	v29 =	vld [tilespmem:s31+$0x10020]  }
0x65: {  	v27 =	vld [tilespmem:s31+$0x10030];
	v18 =	vmul.f32 v18, v18;
	v24 =	vsel vm0, $0x3F800000, v0;
	v28 =	vsub.f32 v30, v31  }
0x66: {  	v26 =	vld [tilespmem:s31+$0x10040];
	v30 =	vsub.f32 v32, v33;
	v22 =	vand.u32 $0x7FFFFFFF, v22;
	v19 =	vmul.f32 v15, v15  }
0x67: {  	v20 =	vmul.f32 v25, v25;
	v15 =	vadd.f32 v24, v16;
	v16 =	vmul.f32 v28, v28;
	v25 =	vld [tilespmem:s31+$0x10050]  }
0x68: {  	s23 =	simm.s32 $0x100;
	vm15 =	vgt.f32 v22, $9.999999770e-03;
	v28 =	vand.u32 $0x7FFFFFFF, v23;
	v23 =	vld [tilespmem:s31+$0x10060];
	v22 =	vmul.f32 v30, v30  }
0x69: {  	s24 =	simm.s32 $0x800;
	v24 =	vld [tilespmem:s23+$0x70];
	v30 =	vnsel vm15, $0x0, v34;
	v31 =	vsel vm15, $0x3F800000, v0;
	v29 =	vand.u32 $0x7FFFFFFF, v29  }
.LBB2_15:
0x6a: {  	p0 =	sne.s32 s24, $0x1FC00;
	v32 =	vld [tilespmem:s23+$0x8070];
	v14 =	vadd.f32 v30, v14;
	v13 =	vadd.f32 v31, v13;
	v27 =	vand.u32 $0x7FFFFFFF, v27  }
0x6b: {  	vm0 =	vgt.f32 v28, $9.999999770e-03;
	vm1 =	vgt.f32 v29, $9.999999770e-03;
	v30 =	vld [tilespmem:s23+$0x0];
	v26 =	vand.u32 $0x7FFFFFFF, v26  }
0x6c: {  	vm2 =	vgt.f32 v27, $9.999999770e-03;
	v28 =	vld [tilespmem:s23+$0x10070];
	vm3 =	vgt.f32 v26, $9.999999770e-03;
	v25 =	vand.u32 $0x7FFFFFFF, v25  }
0x6d: {  	v18 =	vnsel vm0, $0x0, v18;
	v26 =	vld [tilespmem:s23+$0x8000];
	vm4 =	vgt.f32 v25, $9.999999770e-03;
	v23 =	vand.u32 $0x7FFFFFFF, v23  }
0x6e: {  	v19 =	vnsel vm1, $0x0, v19;
	v21 =	vnsel vm2, $0x0, v21;
	v25 =	vld [tilespmem:s23+$0x10];
	vm5 =	vgt.f32 v23, $9.999999770e-03  }
0x6f: {  	v20 =	vnsel vm3, $0x0, v20;
	v16 =	vnsel vm4, $0x0, v16;
	v23 =	vld [tilespmem:s23+$0x8010];
	v24 =	vsub.f32 v24, v32  }
0x70: {  	v29 =	vsel vm0, $0x3F800000, v0;
	v31 =	vsel vm1, $0x3F800000, v0;
	v22 =	vnsel vm5, $0x0, v22;
	v27 =	vld [tilespmem:s23+$0x20]  }
0x71: {  	v33 =	vsel vm2, $0x3F800000, v0;
	v32 =	vld [tilespmem:s23+$0x8020];
	v28 =	vand.u32 $0x7FFFFFFF, v28;
	v24 =	vmul.f32 v24, v24  }
0x72: {  	v26 =	vsub.f32 v30, v26;
	v30 =	vld [tilespmem:s23+$0x30];
	vm0 =	vgt.f32 v28, $9.999999770e-03;
	v28 =	vsel vm3, $0x3F800000, v0  }
0x73: {  	v35 =	vsel vm4, $0x3F800000, v0;
	v36 =	vsel vm5, $0x3F800000, v0;
	v34 =	vld [tilespmem:s23+$0x8030];
	v24 =	vnsel vm0, $0x0, v24  }
0x74: {  	v37 =	vmul.f32 v26, v26;
	v23 =	vsub.f32 v25, v23;
	v25 =	vld [tilespmem:s23+$0x40];
	v17 =	vadd.f32 v24, v17  }
0x75: {  	v12 =	vadd.f32 v18, v12;
	v11 =	vadd.f32 v19, v11;
	v26 =	vsel vm0, $0x3F800000, v0;
	v24 =	vld [tilespmem:s23+$0x8040]  }
0x76: {  	v9 =	vadd.f32 v21, v9;
	v18 =	vmul.f32 v23, v23;
	v19 =	vsub.f32 v27, v32;
	v23 =	vld [tilespmem:s23+$0x50]  }
0x77: {  	v7 =	vadd.f32 v20, v7;
	v5 =	vadd.f32 v16, v5;
	v27 =	vld [tilespmem:s23+$0x8050]  }
0x78: {  	v2 =	vadd.f32 v22, v2;
	v19 =	vmul.f32 v19, v19;
	v16 =	vsub.f32 v30, v34;
	v30 =	vld [tilespmem:s23+$0x60]  }
0x79: {  	v10 =	vadd.f32 v29, v10;
	v8 =	vadd.f32 v31, v8;
	v22 =	vld [tilespmem:s23+$0x8060]  }
0x7a: {  	v6 =	vadd.f32 v33, v6;
	v29 =	vld [tilespmem:s23+$0x10000];
	v21 =	vmul.f32 v16, v16;
	v16 =	vsub.f32 v25, v24  }
0x7b: {  	v3 =	vadd.f32 v35, v3;
	v4 =	vadd.f32 v28, v4;
	v24 =	vld [tilespmem:s23+$0x10010]  }
0x7c: {  	v1 =	vadd.f32 v36, v1;
	v32 =	vld [tilespmem:s23+$0x10020];
	v20 =	vmul.f32 v16, v16;
	v16 =	vsub.f32 v23, v27  }
.Ltmp6:
0x7d: {  	v15 =	vadd.f32 v26, v15;
	v27 =	vld [tilespmem:s23+$0x10030];
	(pc) =	sbr.rel @p0 .LBB2_15-.Ltmp6, $4  }
0x7e: {  	v26 =	vld [tilespmem:s23+$0x10040];
	v16 =	vmul.f32 v16, v16;
	v22 =	vsub.f32 v30, v22  }
0x7f: {  	v23 =	vand.u32 $0x7FFFFFFF, v29;
	v25 =	vld [tilespmem:s23+$0x10050]  }
0x80: {  	vm0 =	vgt.f32 v23, $9.999999770e-03;
	v28 =	vand.u32 $0x7FFFFFFF, v24;
	v23 =	vld [tilespmem:s23+$0x10060];
	s23 =	sshra.s32 s24, $0x2;
	v22 =	vmul.f32 v22, v22  }
0x81: {  	s24 =	sadd.s32 $0x400, s24;
	v24 =	vld [tilespmem:s23+$0x70];
	v30 =	vnsel vm0, $0x0, v37;
	v31 =	vsel vm0, $0x3F800000, v0;
	v29 =	vand.u32 $0x7FFFFFFF, v32  }
0x82: {  	v32 =	vld [tilespmem:s23+$0x8070]  }
0x83: {  	v33 =	vld [tilespmem:s23+$0x0]  }
0x84: {  	v34 =	vld [tilespmem:s23+$0x10070]  }
0x85: {  	v14 =	vadd.f32 v30, v14;
	v30 =	vadd.f32 v31, v13;
	v13 =	vld [tilespmem:s23+$0x8000]  }
0x86: {  	v58 =	vld [tilespmem:s23+$0x10]  }
0x87: {  	v27 =	vand.u32 $0x7FFFFFFF, v27;
	vm0 =	vgt.f32 v28, $9.999999770e-03;
	vm1 =	vgt.f32 v29, $9.999999770e-03;
	v59 =	vld [tilespmem:s23+$0x8010]  }
0x88: {  	v60 =	vld [tilespmem:s23+$0x20];
	v26 =	vand.u32 $0x7FFFFFFF, v26;
	vm2 =	vgt.f32 v27, $9.999999770e-03;
	v18 =	vnsel vm0, $0x0, v18  }
0x89: {  	v61 =	vld [tilespmem:s23+$0x8020];
	v19 =	vnsel vm1, $0x0, v19;
	v40 =	vsel vm0, $0x3F800000, v0;
	v46 =	vsel vm1, $0x3F800000, v0  }
0x8a: {  	v63 =	vld [tilespmem:s23+$0x30];
	vm3 =	vgt.f32 v26, $9.999999770e-03;
	v25 =	vand.u32 $0x7FFFFFFF, v25;
	v21 =	vnsel vm2, $0x0, v21  }
0x8b: {  	v41 =	vld [tilespmem:s23+$0x8030];
	v12 =	vadd.f32 v18, v12;
	v47 =	vsel vm2, $0x3F800000, v0;
	v11 =	vadd.f32 v19, v11  }
0x8c: {  	v44 =	vld [tilespmem:s23+$0x40];
	v54 =	vadd.f32 v40, v10;
	vm4 =	vgt.f32 v25, $9.999999770e-03;
	v23 =	vand.u32 $0x7FFFFFFF, v23  }
0x8d: {  	v49 =	vld [tilespmem:s23+$0x60];
	v20 =	vnsel vm3, $0x0, v20;
	v48 =	vsel vm3, $0x3F800000, v0;
	v24 =	vsub.f32 v24, v32  }
0x8e: {  	v50 =	vld [tilespmem:s23+$0x8060];
	v9 =	vadd.f32 v21, v9;
	v6 =	vadd.f32 v47, v6;
	vm5 =	vgt.f32 v23, $9.999999770e-03  }
0x8f: {  	v53 =	vld [tilespmem:s23+$0x10000];
	v45 =	vnsel vm4, $0x0, v16;
	v62 =	vand.u32 $0x7FFFFFFF, v34;
	v24 =	vmul.f32 v24, v24  }
0x90: {  	v55 =	vld [tilespmem:s23+$0x10010];
	v7 =	vadd.f32 v20, v7;
	v23 =	vadd.f32 v46, v8;
	vm8 =	vgt.f32 v62, $9.999999770e-03  }
0x91: {  	v57 =	vld [tilespmem:s23+$0x10020];
	v4 =	vadd.f32 v48, v4;
	v13 =	vsub.f32 v33, v13;
	v42 =	vnsel vm8, $0x0, v24  }
0x92: {  	v35 =	vsel vm4, $0x3F800000, v0;
	v43 =	vsub.f32 v58, v59;
	v16 =	vadd.f32 v42, v17;
	v17 =	vld [tilespmem:s23+$0x8040]  }
0x93: {  	v18 =	vld [tilespmem:s23+$0x50];
	v22 =	vnsel vm5, $0x0, v22;
	v25 =	vsub.f32 v60, v61;
	v5 =	vadd.f32 v45, v5  }
0x94: {  	v19 =	vld [tilespmem:s23+$0x8050];
	v36 =	vsel vm5, $0x3F800000, v0;
	v52 =	vsub.f32 v63, v41;
	v58 =	vadd.f32 v35, v3  }
0x95: {  	v20 =	vsub.f32 v49, v50;
	v59 =	vand.u32 $0x7FFFFFFF, v53;
	v60 =	vand.u32 $0x7FFFFFFF, v55  }
0x96: {  	v28 =	vand.u32 $0x7FFFFFFF, v57;
	v2 =	vadd.f32 v22, v2;
	v1 =	vadd.f32 v36, v1  }
0x97: {  	v61 =	vld [tilespmem:s23+$0x10060];
	vm9 =	vgt.f32 v59, $9.999999770e-03;
	v51 =	vsel vm8, $0x3F800000, v0;
	v8 =	vsub.f32 v44, v17  }
0x98: {  	vm10 =	vgt.f32 v60, $9.999999770e-03;
	v13 =	vmul.f32 v13, v13;
	v17 =	vadd.f32 v51, v15;
	v15 =	vld [tilespmem:s23+$0x10050]  }
0x99: {  	v10 =	vmul.f32 v25, v25;
	v3 =	vmul.f32 v8, v8;
	v8 =	vsub.f32 v18, v19;
	v18 =	vld [tilespmem:s23+$0x10030]  }
0x9a: {  	vm11 =	vgt.f32 v28, $9.999999770e-03;
	v56 =	vmul.f32 v52, v52;
	v20 =	vmul.f32 v20, v20;
	v19 =	vld [tilespmem:s23+$0x10040]  }
0x9b: {  	v27 =	vsel vm9, $0x3F800000, v0;
	v21 =	vsel vm10, $0x3F800000, v0;
	v62 =	vsel vm11, $0x3F800000, v0  }
0x9c: {  	v24 =	vmul.f32 v43, v43;
	v13 =	vnsel vm9, $0x0, v13;
	v10 =	vnsel vm11, $0x0, v10  }
0x9d: {  	v13 =	vadd.f32 v13, v14;
	v14 =	vadd.f32 v27, v30;
	v15 =	vand.u32 $0x7FFFFFFF, v15  }
0x9e: {  	v11 =	vadd.f32 v10, v11;
	v8 =	vmul.f32 v8, v8;
	vm14 =	vgt.f32 v15, $9.999999770e-03  }
0x9f: {  	v15 =	vand.u32 $0x7FFFFFFF, v61;
	v18 =	vand.u32 $0x7FFFFFFF, v18;
	v19 =	vand.u32 $0x7FFFFFFF, v19  }
0xa0: {  	vm15 =	vgt.f32 v15, $9.999999770e-03;
	v15 =	vnsel vm14, $0x0, v8;
	vm12 =	vgt.f32 v18, $9.999999770e-03  }
0xa1: {  	vm13 =	vgt.f32 v19, $9.999999770e-03;
	v18 =	vnsel vm10, $0x0, v24;
	v20 =	vnsel vm15, $0x0, v20  }
0xa2: {  	v10 =	vadd.f32 v15, v5;
	v15 =	vsel vm14, $0x3F800000, v0;
	v5 =	vadd.f32 v62, v23  }
0xa3: {  	s22 =	sadd.s32 s22, s10;
	v63 =	vsel vm15, $0x3F800000, v0;
	v19 =	vnsel vm12, $0x0, v56;
	v12 =	vadd.f32 v18, v12  }
0xa4: {  	s22 =	smin.u32 s22, s6;
	v3 =	vnsel vm13, $0x0, v3;
	v2 =	vadd.f32 v20, v2;
	v1 =	vadd.f32 v63, v1  }
0xa5: {  	s22 =	sshrl.u32 s22, $0x3;
	v18 =	vsel vm12, $0x3F800000, v0;
	v8 =	vadd.f32 v19, v9;
	v9 =	vadd.f32 v3, v7  }
0xa6: {  	s24 =	simm.s32 $0x0;
	s23 =	sadd.s32 s3, s22;
	v19 =	vsel vm13, $0x3F800000, v0;
	v7 =	vadd.f32 v21, v54;
	v3 =	vadd.f32 v18, v6  }
0xa7: {  	s25 =	simm.s32 $0x10;
	s26 =	simm.s32 $0x100;
	s28 =	sadd.s32 $0x0, s23;
	v6 =	vadd.f32 v15, v58;
	v4 =	vadd.f32 v19, v4  }
.LBB2_17:
0xa8: {  	[tilespmem:s24], [sflag:$0x1] =	stream.linear.gather [hbm4b:s28+s2], $0x80, $0x38;
	[tilespmem:$0x18100] =	vst v63  }
0xa9: {  	s28 =	smov.u32 s25;
	s24 =	smov.u32 s26;
	p0 =	sne.s32 s25, $0x7F0  }
.Ltmp7:
0xaa: {  	s25 =	sadd.s32 $0x10, s25;
	(pc) =	sbr.rel @p0 .LBB2_17-.Ltmp7, $2  }
0xab: {  	_ =	sdelay $0x2  }
0xac: {  	s26 =	sadd.s32 $0x100, s26;
	s28 =	sadd.s32 s28, s23  }
0xad: {  	[tilespmem:s24], [sflag:$0x1] =	stream.linear.gather [hbm4b:s28+s2], $0x80, $0x38;
	[tilespmem:$0x18100] =	vst v63  }
0xae: {  	s23 =	sadd.s32 s4, s22;
	s24 =	simm.s32 $0x8000  }
0xaf: {  	s25 =	simm.s32 $0x10;
	s26 =	simm.s32 $0x8100;
	s28 =	sadd.s32 $0x0, s23  }
.LBB2_19:
0xb0: {  	[tilespmem:s24], [sflag:$0x1] =	stream.linear.gather [hbm4b:s28+s2], $0x80, $0x38;
	[tilespmem:$0x18100] =	vst v63  }
0xb1: {  	s28 =	smov.u32 s25;
	s24 =	smov.u32 s26;
	p0 =	sne.s32 s25, $0x7F0  }
.Ltmp8:
0xb2: {  	s25 =	sadd.s32 $0x10, s25;
	(pc) =	sbr.rel @p0 .LBB2_19-.Ltmp8, $2  }
0xb3: {  	_ =	sdelay $0x2  }
0xb4: {  	s26 =	sadd.s32 $0x100, s26;
	s28 =	sadd.s32 s28, s23  }
0xb5: {  	[tilespmem:s24], [sflag:$0x1] =	stream.linear.gather [hbm4b:s28+s2], $0x80, $0x38;
	[tilespmem:$0x18100] =	vst v63  }
0xb6: {  	s22 =	sadd.s32 s5, s22;
	s23 =	simm.s32 $0x10000  }
0xb7: {  	s24 =	simm.s32 $0x10;
	s25 =	simm.s32 $0x10100;
	s26 =	sadd.s32 $0x0, s22  }
.LBB2_21:
0xb8: {  	[tilespmem:s23], [sflag:$0x1] =	stream.linear.gather [hbm4b:s26+s2], $0x80, $0x38;
	[tilespmem:$0x18100] =	vst v63  }
0xb9: {  	s26 =	smov.u32 s24;
	s23 =	smov.u32 s25;
	p0 =	sne.s32 s24, $0x7F0  }
.Ltmp9:
0xba: {  	s24 =	sadd.s32 $0x10, s24;
	(pc) =	sbr.rel @p0 .LBB2_21-.Ltmp9, $2  }
0xbb: {  	_ =	sdelay $0x2  }
0xbc: {  	s25 =	sadd.s32 $0x100, s25;
	s26 =	sadd.s32 s26, s22  }
0xbd: {  	[tilespmem:s23], [sflag:$0x1] =	stream.linear.gather [hbm4b:s26+s2], $0x80, $0x38;
	[tilespmem:$0x18100] =	vst v63  }
0xbe: {  	_ =	swait.ge [sflag:s16], $0x4000  }
0xbf: {  	[sflag:s16] =	ssyncset.done $0x0  }
0xc0: {  	[sflag:s16] =	ssyncadd.s32 $0xFFFFC000  }
0xc1: {  	_ =	swait.ge [sflag:s16], $0x4000  }
0xc2: {  	[sflag:s16] =	ssyncset.done $0x0  }
0xc3: {  	[sflag:s16] =	ssyncadd.s32 $0xFFFFC000  }
0xc4: {  	_ =	swait.ge [sflag:s16], $0x4000  }
0xc5: {  	[sflag:s16] =	ssyncset.done $0x0  }
0xc6: {  	s31 =	simm.s32 $0x0;
	[sflag:s16] =	ssyncadd.s32 $0xFFFFC000  }
0xc7: {  	v15 =	vld [tilespmem:s31+$0xF0]  }
0xc8: {  	v18 =	vld [tilespmem:s31+$0x80F0]  }
0xc9: {  	v19 =	vld [tilespmem:s31+$0x80]  }
0xca: {  	v20 =	vld [tilespmem:s31+$0x100F0]  }
0xcb: {  	v21 =	vld [tilespmem:s31+$0x8080]  }
0xcc: {  	v22 =	vld [tilespmem:s31+$0x90]  }
0xcd: {  	v23 =	vld [tilespmem:s31+$0x8090]  }
0xce: {  	v24 =	vld [tilespmem:s31+$0xA0]  }
0xcf: {  	v25 =	vld [tilespmem:s31+$0x80A0]  }
0xd0: {  	v26 =	vld [tilespmem:s31+$0xB0]  }
0xd1: {  	v27 =	vld [tilespmem:s31+$0x80B0]  }
0xd2: {  	v28 =	vld [tilespmem:s31+$0xC0]  }
0xd3: {  	v29 =	vld [tilespmem:s31+$0x80C0]  }
0xd4: {  	v30 =	vld [tilespmem:s31+$0xD0]  }
0xd5: {  	v31 =	vld [tilespmem:s31+$0x80D0];
	v15 =	vsub.f32 v15, v18  }
0xd6: {  	v32 =	vld [tilespmem:s31+$0xE0]  }
0xd7: {  	v33 =	vld [tilespmem:s31+$0x80E0];
	v18 =	vand.u32 $0x7FFFFFFF, v20;
	v15 =	vmul.f32 v15, v15  }
0xd8: {  	v19 =	vsub.f32 v19, v21;
	vm0 =	vgt.f32 v18, $9.999999770e-03;
	v18 =	vsub.f32 v22, v23;
	v22 =	vld [tilespmem:s31+$0x10080]  }
0xd9: {  	v20 =	vsub.f32 v26, v27;
	v15 =	vnsel vm0, $0x0, v15  }
0xda: {  	v23 =	vld [tilespmem:s31+$0x10090];
	v34 =	vmul.f32 v19, v19;
	v15 =	vadd.f32 v15, v16  }
0xdb: {  	v21 =	vmul.f32 v20, v20;
	v16 =	vsub.f32 v24, v25;
	v25 =	vsub.f32 v28, v29;
	v29 =	vld [tilespmem:s31+$0x100A0]  }
0xdc: {  	v27 =	vld [tilespmem:s31+$0x100B0];
	v18 =	vmul.f32 v18, v18;
	v24 =	vsel vm0, $0x3F800000, v0;
	v28 =	vsub.f32 v30, v31  }
0xdd: {  	v26 =	vld [tilespmem:s31+$0x100C0];
	v30 =	vsub.f32 v32, v33;
	v22 =	vand.u32 $0x7FFFFFFF, v22;
	v19 =	vmul.f32 v16, v16  }
0xde: {  	v20 =	vmul.f32 v25, v25;
	v16 =	vadd.f32 v24, v17;
	v17 =	vmul.f32 v28, v28;
	v25 =	vld [tilespmem:s31+$0x100D0]  }
0xdf: {  	s22 =	simm.s32 $0x100;
	vm15 =	vgt.f32 v22, $9.999999770e-03;
	v28 =	vand.u32 $0x7FFFFFFF, v23;
	v23 =	vld [tilespmem:s31+$0x100E0];
	v22 =	vmul.f32 v30, v30  }
0xe0: {  	s23 =	simm.s32 $0x800;
	v24 =	vld [tilespmem:s22+$0xF0];
	v30 =	vnsel vm15, $0x0, v34;
	v31 =	vsel vm15, $0x3F800000, v0;
	v29 =	vand.u32 $0x7FFFFFFF, v29  }
.LBB2_23:
0xe1: {  	p0 =	sne.s32 s23, $0x1FC00;
	v32 =	vld [tilespmem:s22+$0x80F0];
	v13 =	vadd.f32 v30, v13;
	v14 =	vadd.f32 v31, v14;
	v27 =	vand.u32 $0x7FFFFFFF, v27  }
0xe2: {  	vm0 =	vgt.f32 v28, $9.999999770e-03;
	vm1 =	vgt.f32 v29, $9.999999770e-03;
	v30 =	vld [tilespmem:s22+$0x80];
	v26 =	vand.u32 $0x7FFFFFFF, v26  }
0xe3: {  	vm2 =	vgt.f32 v27, $9.999999770e-03;
	v28 =	vld [tilespmem:s22+$0x100F0];
	vm3 =	vgt.f32 v26, $9.999999770e-03;
	v25 =	vand.u32 $0x7FFFFFFF, v25  }
0xe4: {  	v18 =	vnsel vm0, $0x0, v18;
	v26 =	vld [tilespmem:s22+$0x8080];
	vm4 =	vgt.f32 v25, $9.999999770e-03;
	v23 =	vand.u32 $0x7FFFFFFF, v23  }
0xe5: {  	v19 =	vnsel vm1, $0x0, v19;
	v21 =	vnsel vm2, $0x0, v21;
	v25 =	vld [tilespmem:s22+$0x90];
	vm5 =	vgt.f32 v23, $9.999999770e-03  }
0xe6: {  	v20 =	vnsel vm3, $0x0, v20;
	v17 =	vnsel vm4, $0x0, v17;
	v23 =	vld [tilespmem:s22+$0x8090];
	v24 =	vsub.f32 v24, v32  }
0xe7: {  	v29 =	vsel vm0, $0x3F800000, v0;
	v31 =	vsel vm1, $0x3F800000, v0;
	v22 =	vnsel vm5, $0x0, v22;
	v27 =	vld [tilespmem:s22+$0xA0]  }
0xe8: {  	v33 =	vsel vm2, $0x3F800000, v0;
	v32 =	vld [tilespmem:s22+$0x80A0];
	v28 =	vand.u32 $0x7FFFFFFF, v28;
	v24 =	vmul.f32 v24, v24  }
0xe9: {  	v26 =	vsub.f32 v30, v26;
	v30 =	vld [tilespmem:s22+$0xB0];
	vm0 =	vgt.f32 v28, $9.999999770e-03;
	v28 =	vsel vm3, $0x3F800000, v0  }
0xea: {  	v35 =	vsel vm4, $0x3F800000, v0;
	v36 =	vsel vm5, $0x3F800000, v0;
	v34 =	vld [tilespmem:s22+$0x80B0];
	v24 =	vnsel vm0, $0x0, v24  }
0xeb: {  	v37 =	vmul.f32 v26, v26;
	v23 =	vsub.f32 v25, v23;
	v25 =	vld [tilespmem:s22+$0xC0];
	v15 =	vadd.f32 v24, v15  }
0xec: {  	v12 =	vadd.f32 v18, v12;
	v11 =	vadd.f32 v19, v11;
	v26 =	vsel vm0, $0x3F800000, v0;
	v24 =	vld [tilespmem:s22+$0x80C0]  }
0xed: {  	v8 =	vadd.f32 v21, v8;
	v18 =	vmul.f32 v23, v23;
	v19 =	vsub.f32 v27, v32;
	v23 =	vld [tilespmem:s22+$0xD0]  }
0xee: {  	v9 =	vadd.f32 v20, v9;
	v10 =	vadd.f32 v17, v10;
	v27 =	vld [tilespmem:s22+$0x80D0]  }
0xef: {  	v2 =	vadd.f32 v22, v2;
	v19 =	vmul.f32 v19, v19;
	v17 =	vsub.f32 v30, v34;
	v30 =	vld [tilespmem:s22+$0xE0]  }
0xf0: {  	v7 =	vadd.f32 v29, v7;
	v5 =	vadd.f32 v31, v5;
	v22 =	vld [tilespmem:s22+$0x80E0]  }
0xf1: {  	v3 =	vadd.f32 v33, v3;
	v29 =	vld [tilespmem:s22+$0x10080];
	v21 =	vmul.f32 v17, v17;
	v17 =	vsub.f32 v25, v24  }
0xf2: {  	v6 =	vadd.f32 v35, v6;
	v4 =	vadd.f32 v28, v4;
	v24 =	vld [tilespmem:s22+$0x10090]  }
0xf3: {  	v1 =	vadd.f32 v36, v1;
	v32 =	vld [tilespmem:s22+$0x100A0];
	v20 =	vmul.f32 v17, v17;
	v17 =	vsub.f32 v23, v27  }
.Ltmp10:
0xf4: {  	v16 =	vadd.f32 v26, v16;
	v27 =	vld [tilespmem:s22+$0x100B0];
	(pc) =	sbr.rel @p0 .LBB2_23-.Ltmp10, $4  }
0xf5: {  	v26 =	vld [tilespmem:s22+$0x100C0];
	v17 =	vmul.f32 v17, v17;
	v22 =	vsub.f32 v30, v22  }
0xf6: {  	v23 =	vand.u32 $0x7FFFFFFF, v29;
	v25 =	vld [tilespmem:s22+$0x100D0]  }
0xf7: {  	vm0 =	vgt.f32 v23, $9.999999770e-03;
	v28 =	vand.u32 $0x7FFFFFFF, v24;
	v23 =	vld [tilespmem:s22+$0x100E0];
	s22 =	sshra.s32 s23, $0x2;
	v22 =	vmul.f32 v22, v22  }
0xf8: {  	s23 =	sadd.s32 $0x400, s23;
	v24 =	vld [tilespmem:s22+$0xF0];
	v30 =	vnsel vm0, $0x0, v37;
	v31 =	vsel vm0, $0x3F800000, v0;
	v29 =	vand.u32 $0x7FFFFFFF, v32  }
0xf9: {  	v32 =	vld [tilespmem:s22+$0x80F0]  }
0xfa: {  	v33 =	vld [tilespmem:s22+$0x80]  }
0xfb: {  	v34 =	vld [tilespmem:s22+$0x100F0]  }
0xfc: {  	v13 =	vadd.f32 v30, v13;
	v30 =	vadd.f32 v31, v14;
	v14 =	vld [tilespmem:s22+$0x8080]  }
0xfd: {  	v58 =	vld [tilespmem:s22+$0x90]  }
0xfe: {  	v59 =	vld [tilespmem:s22+$0x8090]  }
0xff: {  	v27 =	vand.u32 $0x7FFFFFFF, v27;
	vm0 =	vgt.f32 v28, $9.999999770e-03;
	vm1 =	vgt.f32 v29, $9.999999770e-03;
	v60 =	vld [tilespmem:s22+$0xA0]  }
0x100: {  	v61 =	vld [tilespmem:s22+$0x80A0];
	v26 =	vand.u32 $0x7FFFFFFF, v26;
	vm2 =	vgt.f32 v27, $9.999999770e-03;
	v18 =	vnsel vm0, $0x0, v18  }
0x101: {  	v63 =	vld [tilespmem:s22+$0xB0];
	v19 =	vnsel vm1, $0x0, v19;
	v40 =	vsel vm0, $0x3F800000, v0;
	v46 =	vsel vm1, $0x3F800000, v0  }
0x102: {  	v41 =	vld [tilespmem:s22+$0x80B0];
	vm3 =	vgt.f32 v26, $9.999999770e-03;
	v25 =	vand.u32 $0x7FFFFFFF, v25;
	v21 =	vnsel vm2, $0x0, v21  }
0x103: {  	v44 =	vld [tilespmem:s22+$0xC0];
	v12 =	vadd.f32 v18, v12;
	v47 =	vsel vm2, $0x3F800000, v0;
	v11 =	vadd.f32 v19, v11  }
0x104: {  	v45 =	vld [tilespmem:s22+$0x80C0];
	v52 =	vadd.f32 v40, v7;
	v53 =	vadd.f32 v46, v5;
	vm4 =	vgt.f32 v25, $9.999999770e-03  }
0x105: {  	v51 =	vld [tilespmem:s22+$0x10080];
	v23 =	vand.u32 $0x7FFFFFFF, v23;
	v20 =	vnsel vm3, $0x0, v20;
	v48 =	vsel vm3, $0x3F800000, v0  }
0x106: {  	v54 =	vld [tilespmem:s22+$0x10090];
	v8 =	vadd.f32 v21, v8;
	v3 =	vadd.f32 v47, v3;
	vm5 =	vgt.f32 v23, $9.999999770e-03  }
0x107: {  	v55 =	vld [tilespmem:s22+$0x100A0];
	v17 =	vnsel vm4, $0x0, v17;
	v20 =	vadd.f32 v20, v9;
	v4 =	vadd.f32 v48, v4  }
0x108: {  	v35 =	vsel vm4, $0x3F800000, v0;
	v24 =	vsub.f32 v24, v32;
	v14 =	vsub.f32 v33, v14  }
0x109: {  	v62 =	vand.u32 $0x7FFFFFFF, v34;
	v43 =	vsub.f32 v58, v59;
	v25 =	vsub.f32 v60, v61  }
0x10a: {  	v18 =	vld [tilespmem:s22+$0xD0];
	v22 =	vnsel vm5, $0x0, v22;
	v10 =	vadd.f32 v17, v10;
	v17 =	vsub.f32 v63, v41  }
0x10b: {  	v19 =	vld [tilespmem:s22+$0x80D0];
	v36 =	vsel vm5, $0x3F800000, v0;
	v5 =	vsub.f32 v44, v45;
	v56 =	vadd.f32 v35, v6  }
0x10c: {  	v57 =	vand.u32 $0x7FFFFFFF, v51;
	v23 =	vand.u32 $0x7FFFFFFF, v54;
	v26 =	vand.u32 $0x7FFFFFFF, v55  }
0x10d: {  	v49 =	vld [tilespmem:s22+$0xE0];
	vm8 =	vgt.f32 v62, $9.999999770e-03;
	v2 =	vadd.f32 v22, v2;
	v1 =	vadd.f32 v36, v1  }
0x10e: {  	v9 =	vld [tilespmem:s22+$0x80E0];
	vm9 =	vgt.f32 v57, $9.999999770e-03;
	vm10 =	vgt.f32 v23, $9.999999770e-03;
	vm11 =	vgt.f32 v26, $9.999999770e-03  }
0x10f: {  	v24 =	vmul.f32 v24, v24;
	v14 =	vmul.f32 v14, v14;
	v50 =	vsel vm8, $0x3F800000, v0  }
0x110: {  	v7 =	vmul.f32 v25, v25;
	v17 =	vmul.f32 v17, v17;
	v6 =	vsub.f32 v18, v19;
	v18 =	vld [tilespmem:s22+$0x100B0]  }
0x111: {  	v5 =	vmul.f32 v5, v5;
	v19 =	vld [tilespmem:s22+$0x100C0];
	v60 =	vsel vm9, $0x3F800000, v0;
	v61 =	vsel vm11, $0x3F800000, v0  }
0x112: {  	v58 =	vld [tilespmem:s22+$0x100D0];
	v16 =	vadd.f32 v50, v16;
	v42 =	vnsel vm8, $0x0, v24;
	v24 =	vmul.f32 v43, v43  }
0x113: {  	v59 =	vld [tilespmem:s22+$0x100E0];
	v9 =	vsub.f32 v49, v9;
	v6 =	vmul.f32 v6, v6;
	v14 =	vnsel vm9, $0x0, v14  }
0x114: {  	v7 =	vnsel vm11, $0x0, v7;
	v15 =	vadd.f32 v42, v15;
	v14 =	vadd.f32 v14, v13  }
0x115: {  	v13 =	vadd.f32 v60, v30;
	v11 =	vadd.f32 v7, v11;
	v18 =	vand.u32 $0x7FFFFFFF, v18  }
0x116: {  	v9 =	vmul.f32 v9, v9;
	v19 =	vand.u32 $0x7FFFFFFF, v19;
	vm12 =	vgt.f32 v18, $9.999999770e-03  }
0x117: {  	vm13 =	vgt.f32 v19, $9.999999770e-03;
	v18 =	vand.u32 $0x7FFFFFFF, v58;
	v19 =	vnsel vm10, $0x0, v24  }
0x118: {  	vm14 =	vgt.f32 v18, $9.999999770e-03;
	v18 =	vand.u32 $0x7FFFFFFF, v59;
	v17 =	vnsel vm12, $0x0, v17  }
0x119: {  	s21 =	sadd.s32 $0x1, s21;
	v5 =	vnsel vm13, $0x0, v5;
	v12 =	vadd.f32 v19, v12;
	v19 =	vsel vm12, $0x3F800000, v0  }
0x11a: {  	p0 =	sne.s32 s21, $0x20;
	vm15 =	vgt.f32 v18, $9.999999770e-03;
	v6 =	vnsel vm14, $0x0, v6;
	v18 =	vsel vm10, $0x3F800000, v0  }
.Ltmp11:
0x11b: {  	v7 =	vadd.f32 v5, v20;
	v62 =	vnsel vm15, $0x0, v9;
	v9 =	vadd.f32 v17, v8;
	(pc) =	sbr.rel @p0 .LBB2_8-.Ltmp11, $4  }
0x11c: {  	v63 =	vsel vm14, $0x3F800000, v0;
	v5 =	vadd.f32 v6, v10;
	v10 =	vadd.f32 v18, v52  }
0x11d: {  	v17 =	vsel vm13, $0x3F800000, v0;
	v8 =	vadd.f32 v61, v53;
	v6 =	vadd.f32 v19, v3  }
0x11e: {  	v18 =	vsel vm15, $0x3F800000, v0;
	v3 =	vadd.f32 v63, v56;
	v2 =	vadd.f32 v62, v2  }
0x11f: {  	v4 =	vadd.f32 v17, v4;
	v1 =	vadd.f32 v18, v1  }
0x120: {  	v12 =	vadd.f32 v12, v14  }
0x121: {  	v10 =	vadd.f32 v10, v13  }
0x122: {  	v11 =	vadd.f32 v11, v12  }
0x123: {  	v8 =	vadd.f32 v8, v10  }
0x124: {  	v9 =	vadd.f32 v9, v11  }
0x125: {  	_ =	swait.ge [sflag:s15], $0x4000;
	v6 =	vadd.f32 v6, v8  }
0x126: {  	[sflag:s15] =	ssyncset.done $0x0;
	v7 =	vadd.f32 v7, v9  }
0x127: {  	[sflag:s15] =	ssyncadd.s32 $0xFFFFC000;
	v4 =	vadd.f32 v4, v6  }
0x128: {  	_ =	swait.ge [sflag:s15], $0x4000;
	v5 =	vadd.f32 v5, v7  }
0x129: {  	[sflag:s15] =	ssyncset.done $0x0;
	v3 =	vadd.f32 v3, v4  }
0x12a: {  	[sflag:s15] =	ssyncadd.s32 $0xFFFFC000;
	v2 =	vadd.f32 v2, v5  }
0x12b: {  	_ =	swait.ge [sflag:s15], $0x4000;
	v1 =	vadd.f32 v1, v3  }
0x12c: {  	[sflag:s15] =	ssyncset.done $0x0;
	v2 =	vadd.f32 v15, v2  }
0x12d: {  	[sflag:s15] =	ssyncadd.s32 $0xFFFFC000;
	v1 =	vadd.f32 v16, v1  }
0x12e: {  	[tilespmem:$0x18000] =	vst v2  }
0x12f: {  	[tilespmem:$0x18080] =	vst v1  }
0x130: {  	[hbm4b:s11+s2] =	stream.linear.scatter [tilespmem:s17], [sflag:$0x3], $0x80, $0x38;
	[tilespmem:$0x18100] =	vst v63  }
0x131: {  	s20 =	sadd.s32 $0x1, s20;
	_ =	swait.ge [sflag:s18], $0x80  }
0x132: {  	p0 =	sne.s32 s20, s13;
	[sflag:s18] =	ssyncset.done $0x0  }
.Ltmp12:
0x133: {  	[sflag:s18] =	ssyncadd.s32 $0xFFFFFF80;
	(pc) =	sbr.rel @p0 .LBB2_1-.Ltmp12, $4  }
0x134: {  	[hbm4b:s12+s2] =	stream.linear.scatter [tilespmem:s19], [sflag:$0x3], $0x80, $0x38;
	[tilespmem:$0x18100] =	vst v63  }
0x135: {  	_ =	swait.ge [sflag:s18], $0x80  }
0x136: {  	[sflag:s18] =	ssyncset.done $0x0  }
0x137: {  	[sflag:s18] =	ssyncadd.s32 $0xFFFFFF80  }
0x138: {  	_ =	sfence.sel $0x180000  }
0x139: {  	[bflag:$0x0] =	sbarrier.arrive $0xFFFF  }
0x13a: {  	p0 =	sne.s32 s1, $0x0;
	_ =	strace $0x90000050  }
0x13b: {  	s0 =	sadd.s32 @!p0 $0x100000, s0;
	[bflag:$0x2] =	sbarrier.arrive $0xFFFF  }
0x13c: {  	[sflag:s0] =	ssyncadd.tile.s32 @!p0 $0x1;
	_ =	shalt  }
.Lfunc_end2:
_tile_overlayer_lowered:
.L_overlay_start_2:
0x13d: {  	(tag) =	ssettag $0x2  }
0x13e: {  	s0 =	rddreg [dreg:$0x0];
	s2 =	stileid.u32  }
0x13f: {  	s1 =	rddreg [dreg:$0x1];
	p0 =	sne.s32 s2, $0x0  }
0x140: {  	s3 =	rddreg [dreg:$0x2];
	[bflag:$0x3] =	sbarrier.arrive $0xFFFF;
	s2 =	simm.s32 @!p0 $0x1C03  }
0x141: {  	[timem:s3], [sflag:s2] =	dma.local @!p0 [hbm:s0], s1  }
0x142: {  	s0 =	simm.s32 @!p0 $0x3  }
0x143: {  	_ =	swait.ge @!p0 [sflag:s0], s1  }
0x144: {  	s1 =	ssub.s32 @!p0 $0x0, s1;
	[sflag:s0] =	ssyncset.done @!p0 $0x0  }
0x145: {  	[sflag:s0] =	ssyncadd.s32 @!p0 s1  }
0x146: {  	[bflag:$0x3] =	sbarrier.arrive $0xFFFF  }
0x147: {  	_ =	shalt  }

// kernel: sparse-core-data-format-call.1.cloned.1.call-start
scs
called_computation.1_lowered:
.L_overlay_start_0:
0x0: {  	s2 =	sld [smem:$0x3FD9]  }
0x1: {  	s3 =	sld [smem:$0x3FFE];
	_ =	sdelay $0x1  }
0x2: {  	s1 =	srdreg.scid  }
0x3: {  	s0 =	sand.u32 $0x1, s1  }
0x4: {  	s18 =	sshll.u32 s0, $0xA;
	s2 =	sadd.s32 s3, s2  }
0x5: {  	s2 =	sadd.s32 s2, s18  }
0x6: {  	[smem:$0x3FC5] =	sst s2  }
0x7: {  	_ = 	snop  }
0x8: {  	s19 =	sld [smem:$0x3FC8];
	(tm) =	ssettm $0x1  }
0x9: {  	s20 =	sld [smem:$0x3FFB];
	_ =	sdelay $0x3  }
0xa: {  	_ =	strace s20  }
0xb: {  	s2 =	sld [smem:$0x3FFC];
	_ =	sdelay $0x3  }
0xc: {  	_ =	strace s2  }
0xd: {  	s2 =	sld [smem:$0x3FFD];
	_ =	sdelay $0x3  }
0xe: {  	_ =	strace s2  }
0xf: {  	_ =	strace $0x8FFFFFFF  }
0x10: {  	s21 =	sld [smem:$0x3FDB];
	_ =	sdelay $0x1  }
0x11: {  	s4 =	simm.s32 $_scs_section_size  }
0x12: {  	s5 =	simm.s32 $_size__tile_overlayer_lowered;
	s6 =	simm.s32 $_tile_overlayer_lowered  }
0x13: {  	s7 =	simm.s32 $0x1BFF;
	s22 =	sshll.u32 s6, $0x1;
	s4 =	sadd.s32 s4, s21  }
0x14: {  	s23 =	simm.s32 $0x0;
	s5 =	sshll.u32 s5, $0x1;
	s6 =	sadd.s32 s22, s4  }
0x15: {  	[timem:s23], [sflag:s7] =	dma.local [hbm:s6], s5  }
0x16: {  	_ =	swait.ge [sflag:s7], s5  }
0x17: {  	s5 =	ssub.s32 $0x0, s5;
	[sflag:s7] =	ssyncset.done $0x0  }
0x18: {  	[sflag:s7] =	ssyncadd.s32 s5;
	_ =	sdelay $0x1  }
0x19: {  	s24 =	simm.s32 $0x1B8B  }
0x1a: {  	_ =	swait.ge [sflag:s24], $0x1  }
0x1b: {  	[sflag:s24] =	ssyncset.done $0x0  }
0x1c: {  	[sflag:s24] =	ssyncadd.s32 $0xFFFFFFFF  }
0x1d: {  	s5 =	sld [smem:$0x0]  }
0x1e: {  	s6 =	sand.u32 $0xFFFFFFFE, s1  }
0x1f: {  	p0 =	sne.s32 s1, s6  }
0x20: {  	s6 =	sshll.u32 @p0 s6, $0xE  }
0x21: {  	s6 =	sadd.s32 @p0 $0x11B8D, s6;
	s7 =	sshll.u32 @p0 s5, $0x11  }
0x22: {  	s6 =	sor.u32 @p0 s7, s6  }
0x23: {  	[sflag:s6] =	ssyncadd.remote.s32 @p0 $0x1;
	_ =	sdelay $0x1  }
0x24: {  	s6 =	simm.s32 @p0 $0x1B8D  }
0x25: {  	_ =	swait.eq @p0 [sflag:s6], $0x1  }
0x26: {  	[sflag:s6] =	ssyncadd.s32 @p0 $0xFFFFFFFF  }
0x27: {  	s7 =	sshll.u32 @!p0 s1, $0xE  }
0x28: {  	s7 =	sor.u32 @!p0 $0x4000, s7;
	s6 =	simm.s32 @!p0 $0x1B8D  }
0x29: {  	s5 =	sshll.u32 @!p0 s5, $0x11;
	s7 =	sadd.s32 @!p0 $0x11B8D, s7;
	_ =	swait.eq @!p0 [sflag:s6], $0x1  }
0x2a: {  	s5 =	sor.u32 @!p0 s5, s7;
	[sflag:s6] =	ssyncadd.s32 @!p0 $0xFFFFFFFF  }
0x2b: {  	s26 =	simm.s32 $0x1B8E;
	s25 =	sld [smem:$0x3FFE];
	[sflag:s5] =	ssyncadd.remote.s32 @!p0 $0x1  }
0x2c: {  	s27 =	simm.s32 $execute0_lowered;
	[smem:$0x3FD2] =	sst s26  }
0x2d: {  	s6 =	sshll.u32 s27, $0x1;
	_ =	strace $0x80000049;
	[dreg:$0x1] =	wrdreg $0xFFFFFFFF  }
0x2e: {  	s28 =	simm.s32 $_size_execute0_lowered;
	s4 =	sadd.s32 s4, s6;
	[dreg:$0x0] =	wrdreg $0x0  }
0x2f: {  	s6 =	sshll.u32 s28, $0x1;
	[dreg:$0x2] =	wrdreg s4  }
0x30: {  	[dreg:$0x3] =	wrdreg s6  }
0x31: {  	[dreg:$0x4] =	wrdreg $0xC0  }
0x32: {  	_ =	task [dreg:s23], $0x5FFFF  }
0x33: {  	[dreg:$0x1] =	wrdreg $0xFFFFFFFF  }
0x34: {  	[dreg:$0x0] =	wrdreg $0x60  }
0x35: {  	[dreg:$0x2] =	wrdreg s19  }
0x36: {  	[dreg:$0x3] =	wrdreg s25  }
0x37: {  	[dreg:$0x4] =	wrdreg $0xA  }
0x38: {  	_ =	task.clear_ibuf [dreg:s23], $0x5FFFF;
	_ =	strace $0x90000049  }
0x39: {  	s29 =	simm.s32 $0xA;
	_ =	strace $0x8000004B  }
0x3a: {  	_ =	swait.ge [sflag:s29], $0x1  }
0x3b: {  	[sflag:s29] =	ssyncadd.s32 $0xFFFFFFFF  }
0x3c: {  	_ =	strace $0x9000004B  }
0x3d: {  	_ =	sfence  }
0x3e: {  	s30 =	sld [smem:$0x0];
	_ =	sdelay $0x2  }
0x3f: {  	s31 =	sshll.u32 s1, $0xD;
	s1 =	sshrl.u32 s1, $0x2  }
0x40: {  	s4 =	sand.u32 $0x4000, s31;
	s1 =	sadd.s32 s1, s30  }
0x41: {  	s0 =	sor.u32 s4, s0;
	s1 =	sshll.u32 s1, $0x11  }
0x42: {  	s0 =	sor.u32 s1, s0  }
0x43: {  	s0 =	sadd.s32 $0x8F2B, s0  }
0x44: {  	[sflag:s0] =	ssyncadd.remote.s32 $0x1  }
0x45: {  	_ =	sfence.sel $0xFFFF  }
0x46: {  	[dreg:$0x0] =	wrdreg $0xFFFFFFFF;
	(pc) =	sbr.abs _section_cstart, $3  }
0x47: {  	[dreg:$0x1] =	wrdreg $0xFFFFFFFF  }
0x48: {  	_ =	task.clear_ibuf [dreg:s23], $0x2FFFF;
	_ =	strace $0x9FFFFFFF  }
0x49: {  	(tm) =	ssettm $0x7FFFFFFF  }
tec
execute0_lowered:
.L_overlay_start_1:
0x0: {  	(tag) =	ssettag $0x1  }
0x1: {  	s2 =	rddreg [dreg:$0x0]  }
0x2: {  	s1 =	rddreg [dreg:$0x1]  }
0x3: {  	s0 =	rddreg [dreg:$0x2];
	_ =	strace $0x8000004A;
	s4 =	srdreg.scid  }
0x4: {  	s6 =	simm.s32 $0x2;
	s11 =	simm.s32 $0x0;
	p0 =	por $0x0, $0x0  }
.Ltmp0:
0x5: {  	s7 =	simm.s32 $0x1000;
	s12 =	simm.s32 $0x0;
	(pc) =	sbr.rel .LBB1_1-.Ltmp0, $4  }
0x6: {  	s9 =	simm.s32 $0x0;
	s3 =	sadd.s32 $0x401800, s1;
	s5 =	sshll.u32 s4, $0x4  }
0x7: {  	s1 =	stileid.u32;
	s4 =	simm.s32 $0x1;
	s5 =	sand.u32 $0x10, s5  }
0x8: {  	s8 =	simm.s32 $0x0;
	[sflag:s4] =	ssyncpa.u1 $0x0;
	s5 =	sor.u32 s1, s5  }
0x9: {  	[sflag:s6] =	ssyncpa.u1 $0x0;
	s6 =	simm.s32 $0x800;
	s10 =	smov.u32 s5  }
.LBB1_7:
0xa: {  	s13 =	sadd.s32 $0x10, s9  }
0xb: {  	s11 =	sadd.s32 $0x20, s10;
	s15 =	smov.u32 s10;
	p2 =	sgt.s32 s13, $0x1F  }
0xc: {  	p1 =	slt.u32 s8, $0x2;
	s15 =	smov.u32 @p2 s11  }
0xd: {  	s8 =	sadd.s32 $0x1, s8;
	s13 =	simm.s32 @p2 $0x0;
	p2 =	sgt.s32 s15, $0x3FF  }
0xe: {  	s15 =	smov.u32 @p2 s5;
	p2 =	sne.s32 s8, $0x42  }
.Ltmp1:
0xf: {  	_ = 	snop;
	(pc) =	sbr.rel @!p2 .LBB1_8-.Ltmp1, $4  }
0x10: {  	s14 =	simm.s32 @!p1 $0x2  }
0x11: {  	s12 =	smov.u32 s10;
	_ =	swait.ge @!p1 [sflag:s14], $0x4000  }
0x12: {  	p0 =	por !p0, !p0;
	s11 =	smov.u32 s9;
	[sflag:s14] =	ssyncset.done @!p1 $0x0  }
0x13: {  	s9 =	smov.u32 s13;
	[sflag:s14] =	ssyncadd.s32 @!p1 $0xFFFFC000;
	s10 =	smov.u32 s15  }
.LBB1_1:
0x14: {  	p1 =	sgt.u32 s8, $0x3F  }
0x15: {  	s13 =	sxor.u32 @!p1 $0xFFFFFFFF, s8;
	s14 =	sshll.u32 @!p1 s10, $0xC  }
0x16: {  	s15 =	sshll.u32 @!p1 s9, $0x7;
	s13 =	sshll.u32 @!p1 s13, $0xE;
	s14 =	sadd.s32 @!p1 s2, s14  }
0x17: {  	s13 =	sand.u32 @!p1 $0x4000, s13;
	s14 =	sadd.s32 @!p1 s15, s14;
	s15 =	simm.s32 @!p1 $0x0  }
0x18: {  	[tilespmem:s13], [sflag:$0x1] =	stream.linear.gather @!p1 [hbm4b:s14+s15], $0x4000, $0x38;
	[tilespmem:$0x10000] =	vst v63  }
0x19: {  	p1 =	seq.s32 s8, $0x0  }
0x1a: {  	p2 =	seq.s32 @!p1 s8, $0x41  }
0x1b: {  	p1 =	por p1, p2  }
.Ltmp2:
0x1c: {  	_ = 	snop;
	(pc) =	sbr.rel @p1 .LBB1_7-.Ltmp2, $1  }
0x1d: {  	_ =	sdelay $0x3  }
0x1e: {  	s13 =	simm.s32 $0x1;
	_ =	swait.ge [sflag:s4], $0x4000;
	s16 =	sshll.u32 s8, $0xE  }
0x1f: {  	s13 =	simm.s32 @!p0 $0x0;
	[sflag:s4] =	ssyncset.done $0x0;
	s31 =	sand.u32 $0x4000, s16  }
0x20: {  	s16 =	simm.s32 $0x0;
	s14 =	sshll.u32 s13, $0xE;
	[sflag:s4] =	ssyncadd.s32 $0xFFFFC000  }
0x21: {  	s13 =	sor.u32 $0x8040, s14;
	s15 =	sor.u32 $0x40, s14;
	s14 =	sor.u32 $0x8000, s31  }
.LBB1_3:
0x22: {  	v0 =	vmov s15;
	_ =	sdelay $0x3  }
0x23: {  	s18 =	simm.s32 $0x0  }
0x24: {  	v6 =	vld.idx.msk [tilespmem:v0+s18+$0x30 ss:$0x1], $0xffff  }
0x25: {  	v7 =	vld.idx.msk [tilespmem:v0+s18+$0xFFFFFFC0 ss:$0x1], $0xffff  }
0x26: {  	v5 =	vld.idx.msk [tilespmem:v0+s18+$0xFFFFFFD0 ss:$0x1], $0xffff  }
0x27: {  	v4 =	vld.idx.msk [tilespmem:v0+s18+$0xFFFFFFE0 ss:$0x1], $0xffff  }
0x28: {  	v3 =	vld.idx.msk [tilespmem:v0+s18+$0xFFFFFFF0 ss:$0x1], $0xffff  }
0x29: {  	v1 =	vld.idx.msk [tilespmem:v0+s18+$0x0 ss:$0x1], $0xffff  }
0x2a: {  	v2 =	vld.idx.msk [tilespmem:v0+s18+$0x10 ss:$0x1], $0xffff;
	[tilespmem:s13+$0x30] =	vst v6  }
0x2b: {  	s17 =	simm.s32 $0x80;
	s19 =	simm.s32 $0x400;
	[tilespmem:s13+$0xFFFFFFC0] =	vst v7;
	v6 =	vld.idx.msk [tilespmem:v0+s18+$0x20 ss:$0x1], $0xffff;
	s18 =	smov.u32 s13  }
.LBB1_4:
0x2c: {  	p1 =	sne.s32 s19, $0xE00;
	v7 =	vld.idx.msk [tilespmem:v0+s17+$0x30 ss:$0x1], $0xffff;
	[tilespmem:s18+$0xFFFFFFD0] =	vst v5  }
0x2d: {  	v8 =	vld.idx.msk [tilespmem:v0+s17+$0xFFFFFFC0 ss:$0x1], $0xffff;
	[tilespmem:s18+$0xFFFFFFE0] =	vst v4  }
0x2e: {  	v5 =	vld.idx.msk [tilespmem:v0+s17+$0xFFFFFFD0 ss:$0x1], $0xffff;
	[tilespmem:s18+$0xFFFFFFF0] =	vst v3  }
.Ltmp3:
0x2f: {  	v4 =	vld.idx.msk [tilespmem:v0+s17+$0xFFFFFFE0 ss:$0x1], $0xffff;
	[tilespmem:s18+$0x0] =	vst v1;
	(pc) =	sbr.rel @p1 .LBB1_4-.Ltmp3, $4  }
0x30: {  	v3 =	vld.idx.msk [tilespmem:v0+s17+$0xFFFFFFF0 ss:$0x1], $0xffff;
	[tilespmem:s18+$0x10] =	vst v2  }
0x31: {  	v1 =	vld.idx.msk [tilespmem:v0+s17+$0x0 ss:$0x1], $0xffff;
	[tilespmem:s18+$0x20] =	vst v6;
	s18 =	sadd.s32 $0x800, s18  }
0x32: {  	v2 =	vld.idx.msk [tilespmem:v0+s17+$0x10 ss:$0x1], $0xffff;
	[tilespmem:s18+$0x30] =	vst v7  }
0x33: {  	[tilespmem:s18+$0xFFFFFFC0] =	vst v8;
	v6 =	vld.idx.msk [tilespmem:v0+s17+$0x20 ss:$0x1], $0xffff;
	s17 =	sshra.s32 s19, $0x2;
	s19 =	sadd.s32 $0x200, s19  }
0x34: {  	_ =	sdelay $0x2  }
0x35: {  	[tilespmem:s18+$0xFFFFFFD0] =	vst v5  }
0x36: {  	v56 =	vld.idx.msk [tilespmem:v0+s17+$0x30 ss:$0x1], $0xffff;
	[tilespmem:s18+$0xFFFFFFE0] =	vst v4  }
0x37: {  	v57 =	vld.idx.msk [tilespmem:v0+s17+$0xFFFFFFC0 ss:$0x1], $0xffff;
	[tilespmem:s18+$0xFFFFFFF0] =	vst v3  }
0x38: {  	v58 =	vld.idx.msk [tilespmem:v0+s17+$0xFFFFFFD0 ss:$0x1], $0xffff;
	[tilespmem:s18+$0x0] =	vst v1  }
0x39: {  	v59 =	vld.idx.msk [tilespmem:v0+s17+$0xFFFFFFE0 ss:$0x1], $0xffff;
	[tilespmem:s18+$0x10] =	vst v2  }
0x3a: {  	v60 =	vld.idx.msk [tilespmem:v0+s17+$0xFFFFFFF0 ss:$0x1], $0xffff;
	s31 =	sadd.s32 $0x800, s18;
	[tilespmem:s18+$0x20] =	vst v6  }
0x3b: {  	v61 =	vld.idx.msk [tilespmem:v0+s17+$0x0 ss:$0x1], $0xffff;
	[tilespmem:s31+$0x30] =	vst v56  }
0x3c: {  	v62 =	vld.idx.msk [tilespmem:v0+s17+$0x10 ss:$0x1], $0xffff;
	s16 =	sadd.s32 $0x1, s16;
	[tilespmem:s31+$0xFFFFFFC0] =	vst v57  }
0x3d: {  	v63 =	vld.idx.msk [tilespmem:v0+s17+$0x20 ss:$0x1], $0xffff;
	p1 =	sne.s32 s16, $0x10;
	[tilespmem:s31+$0xFFFFFFD0] =	vst v58  }
.Ltmp4:
0x3e: {  	[tilespmem:s31+$0xFFFFFFE0] =	vst v59;
	(pc) =	sbr.rel @p1 .LBB1_3-.Ltmp4, $4  }
0x3f: {  	[tilespmem:s31+$0xFFFFFFF0] =	vst v60  }
0x40: {  	[tilespmem:s31+$0x0] =	vst v61  }
0x41: {  	[tilespmem:s31+$0x10] =	vst v62  }
0x42: {  	s13 =	sadd.s32 $0x80, s13;
	s15 =	sadd.s32 $0x400, s15;
	[tilespmem:s31+$0x20] =	vst v63  }
.Ltmp5:
0x43: {  	(pc) =	sbr.rel .LBB1_7-.Ltmp5, $4  }
0x44: {  	s12 =	sshll.u32 s12, $0xC;
	s11 =	sshll.u32 s11, $0x4  }
0x45: {  	s11 =	sand.u32 $0x1F0, s11;
	s12 =	sadd.s32 s3, s12  }
0x46: {  	s11 =	sadd.s32 s11, s12  }
0x47: {  	[hbm4b:s11+s6] =	stream.strided.scatter [tilespmem:s14], [sflag:$0x2], $0x4000, s7, s6, $0x38;
	[tilespmem:$0x10000] =	vst v63  }
.LBB1_8:
0x48: {  	_ =	sfence.sel $0x180000  }
0x49: {  	s2 =	simm.s32 $0x1;
	[bflag:$0x0] =	sbarrier.arrive $0xFFFF  }
0x4a: {  	s31 =	simm.s32 $0x2;
	[sflag:s2] =	ssyncpa.u1 $0x1  }
0x4b: {  	[sflag:s31] =	ssyncpa.u1 $0x1  }
0x4c: {  	p0 =	sne.s32 s1, $0x0;
	_ =	strace $0x9000004A  }
0x4d: {  	s0 =	sadd.s32 @!p0 $0x100000, s0;
	[bflag:$0x2] =	sbarrier.arrive $0xFFFF  }
0x4e: {  	[sflag:s0] =	ssyncadd.tile.s32 @!p0 $0x1;
	_ =	shalt  }
.Lfunc_end1:
_tile_overlayer_lowered:
.L_overlay_start_2:
0x4f: {  	(tag) =	ssettag $0x2  }
0x50: {  	s0 =	rddreg [dreg:$0x0];
	s2 =	stileid.u32  }
0x51: {  	s1 =	rddreg [dreg:$0x1];
	p0 =	sne.s32 s2, $0x0  }
0x52: {  	s3 =	rddreg [dreg:$0x2];
	[bflag:$0x3] =	sbarrier.arrive $0xFFFF;
	s2 =	simm.s32 @!p0 $0x1C01  }
0x53: {  	[timem:s3], [sflag:s2] =	dma.local @!p0 [hbm:s0], s1  }
0x54: {  	s0 =	simm.s32 @!p0 $0x1  }
0x55: {  	_ =	swait.ge @!p0 [sflag:s0], s1  }
0x56: {  	s1 =	ssub.s32 @!p0 $0x0, s1;
	[sflag:s0] =	ssyncset.done @!p0 $0x0  }
0x57: {  	[sflag:s0] =	ssyncadd.s32 @!p0 s1  }
0x58: {  	[bflag:$0x3] =	sbarrier.arrive $0xFFFF  }
0x59: {  	_ =	shalt  }

// kernel: sparse-core-data-format-call.2.cloned.1.call-start
scs
called_computation.2_lowered:
.L_overlay_start_0:
0x0: {  	s2 =	sld [smem:$0x3FD9]  }
0x1: {  	s3 =	sld [smem:$0x3FFE];
	_ =	sdelay $0x1  }
0x2: {  	s1 =	srdreg.scid  }
0x3: {  	s0 =	sand.u32 $0x1, s1  }
0x4: {  	s18 =	sshll.u32 s0, $0xA;
	s2 =	sadd.s32 s3, s2  }
0x5: {  	s2 =	sadd.s32 s2, s18  }
0x6: {  	[smem:$0x3FC5] =	sst s2  }
0x7: {  	_ = 	snop  }
0x8: {  	s2 =	sld [smem:$0x3FC9];
	(tm) =	ssettm $0x1  }
0x9: {  	s19 =	sld [smem:$0x3FFB];
	_ =	sdelay $0x3  }
0xa: {  	_ =	strace s19  }
0xb: {  	s3 =	sld [smem:$0x3FFC];
	_ =	sdelay $0x3  }
0xc: {  	_ =	strace s3  }
0xd: {  	s3 =	sld [smem:$0x3FFD];
	_ =	sdelay $0x3  }
0xe: {  	_ =	strace s3  }
0xf: {  	_ =	strace $0x8FFFFFFF  }
0x10: {  	s20 =	sld [smem:$0x3FDB];
	_ =	sdelay $0x1  }
0x11: {  	s4 =	simm.s32 $_scs_section_size  }
0x12: {  	s5 =	simm.s32 $_size__tile_overlayer_lowered;
	s6 =	simm.s32 $_tile_overlayer_lowered  }
0x13: {  	s23 =	simm.s32 $0x1BFF;
	s22 =	sshll.u32 s6, $0x1;
	s3 =	sadd.s32 s4, s20  }
0x14: {  	s7 =	simm.s32 $0x0;
	s21 =	sshll.u32 s5, $0x1;
	s5 =	sadd.s32 s22, s3  }
0x15: {  	[timem:s7], [sflag:s23] =	dma.local [hbm:s5], s21  }
0x16: {  	_ =	swait.ge [sflag:s23], s21  }
0x17: {  	s4 =	ssub.s32 $0x0, s21;
	[sflag:s23] =	ssyncset.done $0x0  }
0x18: {  	[sflag:s23] =	ssyncadd.s32 s4;
	_ =	sdelay $0x1  }
0x19: {  	s24 =	simm.s32 $0x1B8B  }
0x1a: {  	_ =	swait.ge [sflag:s24], $0x1  }
0x1b: {  	[sflag:s24] =	ssyncset.done $0x0  }
0x1c: {  	s26 =	simm.s32 $0x1B8E;
	s25 =	sld [smem:$0x3FFE];
	[sflag:s24] =	ssyncadd.s32 $0xFFFFFFFF  }
0x1d: {  	s27 =	simm.s32 $execute0_lowered;
	[smem:$0x3FD2] =	sst s26  }
0x1e: {  	s5 =	sshll.u32 s27, $0x1;
	_ =	strace $0x80000046;
	[dreg:$0x1] =	wrdreg $0xFFFFFFFF  }
0x1f: {  	s28 =	simm.s32 $_size_execute0_lowered;
	s3 =	sadd.s32 s3, s5;
	[dreg:$0x0] =	wrdreg $0x0  }
0x20: {  	s5 =	sshll.u32 s28, $0x1;
	[dreg:$0x2] =	wrdreg s3  }
0x21: {  	[dreg:$0x3] =	wrdreg s5  }
0x22: {  	[dreg:$0x4] =	wrdreg $0xC0  }
0x23: {  	_ =	task [dreg:s7], $0x5FFFF  }
0x24: {  	[dreg:$0x1] =	wrdreg $0xFFFFFFFF  }
0x25: {  	[dreg:$0x0] =	wrdreg $0x60  }
0x26: {  	[dreg:$0x2] =	wrdreg s2  }
0x27: {  	[dreg:$0x3] =	wrdreg s25  }
0x28: {  	[dreg:$0x4] =	wrdreg $0xB  }
0x29: {  	_ =	task.clear_ibuf [dreg:s7], $0x5FFFF;
	_ =	strace $0x90000046  }
0x2a: {  	s29 =	simm.s32 $0xB;
	_ =	strace $0x80000048  }
0x2b: {  	_ =	swait.ge [sflag:s29], $0x1  }
0x2c: {  	[sflag:s29] =	ssyncadd.s32 $0xFFFFFFFF  }
0x2d: {  	_ =	strace $0x90000048  }
0x2e: {  	_ =	sfence  }
0x2f: {  	s30 =	sld [smem:$0x0];
	_ =	sdelay $0x2  }
0x30: {  	s31 =	sshll.u32 s1, $0xD;
	s1 =	sshrl.u32 s1, $0x2  }
0x31: {  	s3 =	sand.u32 $0x4000, s31;
	s1 =	sadd.s32 s1, s30  }
0x32: {  	s0 =	sor.u32 s3, s0;
	s1 =	sshll.u32 s1, $0x11  }
0x33: {  	s0 =	sor.u32 s1, s0  }
0x34: {  	s0 =	sadd.s32 $0x8F2B, s0  }
0x35: {  	[sflag:s0] =	ssyncadd.remote.s32 $0x1  }
0x36: {  	_ =	sfence.sel $0xFFFF  }
0x37: {  	[dreg:$0x0] =	wrdreg $0xFFFFFFFF;
	(pc) =	sbr.abs _section_cstart, $3  }
0x38: {  	[dreg:$0x1] =	wrdreg $0xFFFFFFFF  }
0x39: {  	_ =	task.clear_ibuf [dreg:s7], $0x2FFFF;
	_ =	strace $0x9FFFFFFF  }
0x3a: {  	(tm) =	ssettm $0x7FFFFFFF  }
0x3b: {  	_ =	shalt  }
tec
execute0_lowered:
.L_overlay_start_1:
0x0: {  	(tag) =	ssettag $0x1  }
0x1: {  	s2 =	rddreg [dreg:$0x0]  }
0x2: {  	s1 =	rddreg [dreg:$0x1]  }
0x3: {  	s0 =	rddreg [dreg:$0x2];
	_ =	strace $0x80000047;
	s4 =	srdreg.scid  }
0x4: {  	s6 =	simm.s32 $0x2;
	s11 =	simm.s32 $0x0;
	p0 =	por $0x0, $0x0  }
.Ltmp0:
0x5: {  	s7 =	simm.s32 $0x1000;
	s12 =	simm.s32 $0x0;
	(pc) =	sbr.rel .LBB1_1-.Ltmp0, $4  }
0x6: {  	s9 =	simm.s32 $0x0;
	s3 =	sadd.s32 $0x1800, s1;
	s5 =	sshll.u32 s4, $0x4  }
0x7: {  	s1 =	stileid.u32;
	s4 =	simm.s32 $0x1;
	s5 =	sand.u32 $0x10, s5  }
0x8: {  	s8 =	simm.s32 $0x0;
	[sflag:s4] =	ssyncpa.u1 $0x0;
	s5 =	sor.u32 s1, s5  }
0x9: {  	[sflag:s6] =	ssyncpa.u1 $0x0;
	s6 =	simm.s32 $0x800;
	s10 =	smov.u32 s5  }
.LBB1_7:
0xa: {  	s13 =	sadd.s32 $0x10, s9  }
0xb: {  	s11 =	sadd.s32 $0x20, s10;
	s15 =	smov.u32 s10;
	p2 =	sgt.s32 s13, $0x1F  }
0xc: {  	p1 =	slt.u32 s8, $0x2;
	s15 =	smov.u32 @p2 s11  }
0xd: {  	s8 =	sadd.s32 $0x1, s8;
	s13 =	simm.s32 @p2 $0x0;
	p2 =	sgt.s32 s15, $0x3FF  }
0xe: {  	s15 =	smov.u32 @p2 s5;
	p2 =	sne.s32 s8, $0x42  }
.Ltmp1:
0xf: {  	_ = 	snop;
	(pc) =	sbr.rel @!p2 .LBB1_8-.Ltmp1, $4  }
0x10: {  	s14 =	simm.s32 @!p1 $0x2  }
0x11: {  	s12 =	smov.u32 s10;
	_ =	swait.ge @!p1 [sflag:s14], $0x4000  }
0x12: {  	p0 =	por !p0, !p0;
	s11 =	smov.u32 s9;
	[sflag:s14] =	ssyncset.done @!p1 $0x0  }
0x13: {  	s9 =	smov.u32 s13;
	[sflag:s14] =	ssyncadd.s32 @!p1 $0xFFFFC000;
	s10 =	smov.u32 s15  }
.LBB1_1:
0x14: {  	p1 =	sgt.u32 s8, $0x3F  }
0x15: {  	s13 =	sxor.u32 @!p1 $0xFFFFFFFF, s8;
	s14 =	sshll.u32 @!p1 s10, $0xC  }
0x16: {  	s15 =	sshll.u32 @!p1 s9, $0x7;
	s13 =	sshll.u32 @!p1 s13, $0xE;
	s14 =	sadd.s32 @!p1 s2, s14  }
0x17: {  	s13 =	sand.u32 @!p1 $0x4000, s13;
	s14 =	sadd.s32 @!p1 s15, s14;
	s15 =	simm.s32 @!p1 $0x0  }
0x18: {  	[tilespmem:s13], [sflag:$0x1] =	stream.linear.gather @!p1 [hbm4b:s14+s15], $0x4000, $0x38;
	[tilespmem:$0x10000] =	vst v63  }
0x19: {  	p1 =	seq.s32 s8, $0x0  }
0x1a: {  	p2 =	seq.s32 @!p1 s8, $0x41  }
0x1b: {  	p1 =	por p1, p2  }
.Ltmp2:
0x1c: {  	_ = 	snop;
	(pc) =	sbr.rel @p1 .LBB1_7-.Ltmp2, $1  }
0x1d: {  	_ =	sdelay $0x3  }
0x1e: {  	s13 =	simm.s32 $0x1;
	_ =	swait.ge [sflag:s4], $0x4000;
	s16 =	sshll.u32 s8, $0xE  }
0x1f: {  	s13 =	simm.s32 @!p0 $0x0;
	[sflag:s4] =	ssyncset.done $0x0;
	s31 =	sand.u32 $0x4000, s16  }
0x20: {  	s16 =	simm.s32 $0x0;
	s14 =	sshll.u32 s13, $0xE;
	[sflag:s4] =	ssyncadd.s32 $0xFFFFC000  }
0x21: {  	s13 =	sor.u32 $0x8040, s14;
	s15 =	sor.u32 $0x40, s14;
	s14 =	sor.u32 $0x8000, s31  }
.LBB1_3:
0x22: {  	v0 =	vmov s15;
	_ =	sdelay $0x3  }
0x23: {  	s18 =	simm.s32 $0x0  }
0x24: {  	v6 =	vld.idx.msk [tilespmem:v0+s18+$0x30 ss:$0x1], $0xffff  }
0x25: {  	v7 =	vld.idx.msk [tilespmem:v0+s18+$0xFFFFFFC0 ss:$0x1], $0xffff  }
0x26: {  	v5 =	vld.idx.msk [tilespmem:v0+s18+$0xFFFFFFD0 ss:$0x1], $0xffff  }
0x27: {  	v4 =	vld.idx.msk [tilespmem:v0+s18+$0xFFFFFFE0 ss:$0x1], $0xffff  }
0x28: {  	v3 =	vld.idx.msk [tilespmem:v0+s18+$0xFFFFFFF0 ss:$0x1], $0xffff  }
0x29: {  	v1 =	vld.idx.msk [tilespmem:v0+s18+$0x0 ss:$0x1], $0xffff  }
0x2a: {  	v2 =	vld.idx.msk [tilespmem:v0+s18+$0x10 ss:$0x1], $0xffff;
	[tilespmem:s13+$0x30] =	vst v6  }
0x2b: {  	s17 =	simm.s32 $0x80;
	s19 =	simm.s32 $0x400;
	[tilespmem:s13+$0xFFFFFFC0] =	vst v7;
	v6 =	vld.idx.msk [tilespmem:v0+s18+$0x20 ss:$0x1], $0xffff;
	s18 =	smov.u32 s13  }
.LBB1_4:
0x2c: {  	p1 =	sne.s32 s19, $0xE00;
	v7 =	vld.idx.msk [tilespmem:v0+s17+$0x30 ss:$0x1], $0xffff;
	[tilespmem:s18+$0xFFFFFFD0] =	vst v5  }
0x2d: {  	v8 =	vld.idx.msk [tilespmem:v0+s17+$0xFFFFFFC0 ss:$0x1], $0xffff;
	[tilespmem:s18+$0xFFFFFFE0] =	vst v4  }
0x2e: {  	v5 =	vld.idx.msk [tilespmem:v0+s17+$0xFFFFFFD0 ss:$0x1], $0xffff;
	[tilespmem:s18+$0xFFFFFFF0] =	vst v3  }
.Ltmp3:
0x2f: {  	v4 =	vld.idx.msk [tilespmem:v0+s17+$0xFFFFFFE0 ss:$0x1], $0xffff;
	[tilespmem:s18+$0x0] =	vst v1;
	(pc) =	sbr.rel @p1 .LBB1_4-.Ltmp3, $4  }
0x30: {  	v3 =	vld.idx.msk [tilespmem:v0+s17+$0xFFFFFFF0 ss:$0x1], $0xffff;
	[tilespmem:s18+$0x10] =	vst v2  }
0x31: {  	v1 =	vld.idx.msk [tilespmem:v0+s17+$0x0 ss:$0x1], $0xffff;
	[tilespmem:s18+$0x20] =	vst v6;
	s18 =	sadd.s32 $0x800, s18  }
0x32: {  	v2 =	vld.idx.msk [tilespmem:v0+s17+$0x10 ss:$0x1], $0xffff;
	[tilespmem:s18+$0x30] =	vst v7  }
0x33: {  	[tilespmem:s18+$0xFFFFFFC0] =	vst v8;
	v6 =	vld.idx.msk [tilespmem:v0+s17+$0x20 ss:$0x1], $0xffff;
	s17 =	sshra.s32 s19, $0x2;
	s19 =	sadd.s32 $0x200, s19  }
0x34: {  	_ =	sdelay $0x2  }
0x35: {  	[tilespmem:s18+$0xFFFFFFD0] =	vst v5  }
0x36: {  	v56 =	vld.idx.msk [tilespmem:v0+s17+$0x30 ss:$0x1], $0xffff;
	[tilespmem:s18+$0xFFFFFFE0] =	vst v4  }
0x37: {  	v57 =	vld.idx.msk [tilespmem:v0+s17+$0xFFFFFFC0 ss:$0x1], $0xffff;
	[tilespmem:s18+$0xFFFFFFF0] =	vst v3  }
0x38: {  	v58 =	vld.idx.msk [tilespmem:v0+s17+$0xFFFFFFD0 ss:$0x1], $0xffff;
	[tilespmem:s18+$0x0] =	vst v1  }
0x39: {  	v59 =	vld.idx.msk [tilespmem:v0+s17+$0xFFFFFFE0 ss:$0x1], $0xffff;
	[tilespmem:s18+$0x10] =	vst v2  }
0x3a: {  	v60 =	vld.idx.msk [tilespmem:v0+s17+$0xFFFFFFF0 ss:$0x1], $0xffff;
	s31 =	sadd.s32 $0x800, s18;
	[tilespmem:s18+$0x20] =	vst v6  }
0x3b: {  	v61 =	vld.idx.msk [tilespmem:v0+s17+$0x0 ss:$0x1], $0xffff;
	[tilespmem:s31+$0x30] =	vst v56  }
0x3c: {  	v62 =	vld.idx.msk [tilespmem:v0+s17+$0x10 ss:$0x1], $0xffff;
	s16 =	sadd.s32 $0x1, s16;
	[tilespmem:s31+$0xFFFFFFC0] =	vst v57  }
0x3d: {  	v63 =	vld.idx.msk [tilespmem:v0+s17+$0x20 ss:$0x1], $0xffff;
	p1 =	sne.s32 s16, $0x10;
	[tilespmem:s31+$0xFFFFFFD0] =	vst v58  }
.Ltmp4:
0x3e: {  	[tilespmem:s31+$0xFFFFFFE0] =	vst v59;
	(pc) =	sbr.rel @p1 .LBB1_3-.Ltmp4, $4  }
0x3f: {  	[tilespmem:s31+$0xFFFFFFF0] =	vst v60  }
0x40: {  	[tilespmem:s31+$0x0] =	vst v61  }
0x41: {  	[tilespmem:s31+$0x10] =	vst v62  }
0x42: {  	s13 =	sadd.s32 $0x80, s13;
	s15 =	sadd.s32 $0x400, s15;
	[tilespmem:s31+$0x20] =	vst v63  }
.Ltmp5:
0x43: {  	(pc) =	sbr.rel .LBB1_7-.Ltmp5, $4  }
0x44: {  	s12 =	sshll.u32 s12, $0xC;
	s11 =	sshll.u32 s11, $0x4  }
0x45: {  	s11 =	sand.u32 $0x1F0, s11;
	s12 =	sadd.s32 s3, s12  }
0x46: {  	s11 =	sadd.s32 s11, s12  }
0x47: {  	[hbm4b:s11+s6] =	stream.strided.scatter [tilespmem:s14], [sflag:$0x2], $0x4000, s7, s6, $0x38;
	[tilespmem:$0x10000] =	vst v63  }
.LBB1_8:
0x48: {  	_ =	sfence.sel $0x180000  }
0x49: {  	s2 =	simm.s32 $0x1;
	[bflag:$0x0] =	sbarrier.arrive $0xFFFF  }
0x4a: {  	s31 =	simm.s32 $0x2;
	[sflag:s2] =	ssyncpa.u1 $0x1  }
0x4b: {  	[sflag:s31] =	ssyncpa.u1 $0x1  }
0x4c: {  	p0 =	sne.s32 s1, $0x0;
	_ =	strace $0x90000047  }
0x4d: {  	s0 =	sadd.s32 @!p0 $0x100000, s0;
	[bflag:$0x2] =	sbarrier.arrive $0xFFFF  }
0x4e: {  	[sflag:s0] =	ssyncadd.tile.s32 @!p0 $0x1;
	_ =	shalt  }
.Lfunc_end1:
_tile_overlayer_lowered:
.L_overlay_start_2:
0x4f: {  	(tag) =	ssettag $0x2  }
0x50: {  	s0 =	rddreg [dreg:$0x0];
	s2 =	stileid.u32  }
0x51: {  	s1 =	rddreg [dreg:$0x1];
	p0 =	sne.s32 s2, $0x0  }
0x52: {  	s3 =	rddreg [dreg:$0x2];
	[bflag:$0x3] =	sbarrier.arrive $0xFFFF;
	s2 =	simm.s32 @!p0 $0x1C01  }
0x53: {  	[timem:s3], [sflag:s2] =	dma.local @!p0 [hbm:s0], s1  }
0x54: {  	s0 =	simm.s32 @!p0 $0x1  }
0x55: {  	_ =	swait.ge @!p0 [sflag:s0], s1  }
0x56: {  	s1 =	ssub.s32 @!p0 $0x0, s1;
	[sflag:s0] =	ssyncset.done @!p0 $0x0  }
0x57: {  	[sflag:s0] =	ssyncadd.s32 @!p0 s1  }
0x58: {  	[bflag:$0x3] =	sbarrier.arrive $0xFFFF  }
0x59: {  	_ =	shalt  }

// kernel: sparse-core-data-format-call.cloned.1.call-start
scs
called_computation_lowered:
.L_overlay_start_0:
0x0: {  	s2 =	sld [smem:$0x3FD9]  }
0x1: {  	s3 =	sld [smem:$0x3FFE];
	_ =	sdelay $0x1  }
0x2: {  	s1 =	srdreg.scid  }
0x3: {  	s0 =	sand.u32 $0x1, s1  }
0x4: {  	s18 =	sshll.u32 s0, $0xA;
	s2 =	sadd.s32 s3, s2  }
0x5: {  	s2 =	sadd.s32 s2, s18  }
0x6: {  	[smem:$0x3FC5] =	sst s2  }
0x7: {  	_ = 	snop  }
0x8: {  	s19 =	sld [smem:$0x3FC7];
	(tm) =	ssettm $0x1  }
0x9: {  	s20 =	sld [smem:$0x3FFB];
	_ =	sdelay $0x3  }
0xa: {  	_ =	strace s20  }
0xb: {  	s2 =	sld [smem:$0x3FFC];
	_ =	sdelay $0x3  }
0xc: {  	_ =	strace s2  }
0xd: {  	s2 =	sld [smem:$0x3FFD];
	_ =	sdelay $0x3  }
0xe: {  	_ =	strace s2  }
0xf: {  	_ =	strace $0x8FFFFFFF  }
0x10: {  	s21 =	sld [smem:$0x3FDB];
	_ =	sdelay $0x1  }
0x11: {  	s4 =	simm.s32 $_scs_section_size  }
0x12: {  	s5 =	simm.s32 $_size__tile_overlayer_lowered;
	s6 =	simm.s32 $_tile_overlayer_lowered  }
0x13: {  	s7 =	simm.s32 $0x1BFF;
	s22 =	sshll.u32 s6, $0x1;
	s4 =	sadd.s32 s4, s21  }
0x14: {  	s23 =	simm.s32 $0x0;
	s5 =	sshll.u32 s5, $0x1;
	s6 =	sadd.s32 s22, s4  }
0x15: {  	[timem:s23], [sflag:s7] =	dma.local [hbm:s6], s5  }
0x16: {  	_ =	swait.ge [sflag:s7], s5  }
0x17: {  	s5 =	ssub.s32 $0x0, s5;
	[sflag:s7] =	ssyncset.done $0x0  }
0x18: {  	[sflag:s7] =	ssyncadd.s32 s5;
	_ =	sdelay $0x1  }
0x19: {  	s24 =	simm.s32 $0x1B8B  }
0x1a: {  	_ =	swait.ge [sflag:s24], $0x1  }
0x1b: {  	[sflag:s24] =	ssyncset.done $0x0  }
0x1c: {  	[sflag:s24] =	ssyncadd.s32 $0xFFFFFFFF  }
0x1d: {  	s5 =	sld [smem:$0x0]  }
0x1e: {  	s6 =	sand.u32 $0xFFFFFFFE, s1  }
0x1f: {  	p0 =	sne.s32 s1, s6  }
0x20: {  	s6 =	sshll.u32 @p0 s6, $0xE  }
0x21: {  	s6 =	sadd.s32 @p0 $0x11B8D, s6;
	s7 =	sshll.u32 @p0 s5, $0x11  }
0x22: {  	s6 =	sor.u32 @p0 s7, s6  }
0x23: {  	[sflag:s6] =	ssyncadd.remote.s32 @p0 $0x1;
	_ =	sdelay $0x1  }
0x24: {  	s6 =	simm.s32 @p0 $0x1B8D  }
0x25: {  	_ =	swait.eq @p0 [sflag:s6], $0x1  }
0x26: {  	[sflag:s6] =	ssyncadd.s32 @p0 $0xFFFFFFFF  }
0x27: {  	s7 =	sshll.u32 @!p0 s1, $0xE  }
0x28: {  	s7 =	sor.u32 @!p0 $0x4000, s7;
	s6 =	simm.s32 @!p0 $0x1B8D  }
0x29: {  	s5 =	sshll.u32 @!p0 s5, $0x11;
	s7 =	sadd.s32 @!p0 $0x11B8D, s7;
	_ =	swait.eq @!p0 [sflag:s6], $0x1  }
0x2a: {  	s5 =	sor.u32 @!p0 s5, s7;
	[sflag:s6] =	ssyncadd.s32 @!p0 $0xFFFFFFFF  }
0x2b: {  	s26 =	simm.s32 $0x1B8E;
	s25 =	sld [smem:$0x3FFE];
	[sflag:s5] =	ssyncadd.remote.s32 @!p0 $0x1  }
0x2c: {  	s27 =	simm.s32 $execute0_lowered;
	[smem:$0x3FD2] =	sst s26  }
0x2d: {  	s6 =	sshll.u32 s27, $0x1;
	_ =	strace $0x8000004C;
	[dreg:$0x1] =	wrdreg $0xFFFFFFFF  }
0x2e: {  	s28 =	simm.s32 $_size_execute0_lowered;
	s4 =	sadd.s32 s4, s6;
	[dreg:$0x0] =	wrdreg $0x0  }
0x2f: {  	s6 =	sshll.u32 s28, $0x1;
	[dreg:$0x2] =	wrdreg s4  }
0x30: {  	[dreg:$0x3] =	wrdreg s6  }
0x31: {  	[dreg:$0x4] =	wrdreg $0xC0  }
0x32: {  	_ =	task [dreg:s23], $0x5FFFF  }
0x33: {  	[dreg:$0x1] =	wrdreg $0xFFFFFFFF  }
0x34: {  	[dreg:$0x0] =	wrdreg $0x60  }
0x35: {  	[dreg:$0x2] =	wrdreg s19  }
0x36: {  	[dreg:$0x3] =	wrdreg s25  }
0x37: {  	[dreg:$0x4] =	wrdreg $0x9  }
0x38: {  	_ =	task.clear_ibuf [dreg:s23], $0x5FFFF;
	_ =	strace $0x9000004C  }
0x39: {  	s29 =	simm.s32 $0x9;
	_ =	strace $0x8000004E  }
0x3a: {  	_ =	swait.ge [sflag:s29], $0x1  }
0x3b: {  	[sflag:s29] =	ssyncadd.s32 $0xFFFFFFFF  }
0x3c: {  	_ =	strace $0x9000004E  }
0x3d: {  	_ =	sfence  }
0x3e: {  	s30 =	sld [smem:$0x0];
	_ =	sdelay $0x2  }
0x3f: {  	s31 =	sshll.u32 s1, $0xD;
	s1 =	sshrl.u32 s1, $0x2  }
0x40: {  	s4 =	sand.u32 $0x4000, s31;
	s1 =	sadd.s32 s1, s30  }
0x41: {  	s0 =	sor.u32 s4, s0;
	s1 =	sshll.u32 s1, $0x11  }
0x42: {  	s0 =	sor.u32 s1, s0  }
0x43: {  	s0 =	sadd.s32 $0x8F2B, s0  }
0x44: {  	[sflag:s0] =	ssyncadd.remote.s32 $0x1  }
0x45: {  	_ =	sfence.sel $0xFFFF  }
0x46: {  	[dreg:$0x0] =	wrdreg $0xFFFFFFFF;
	(pc) =	sbr.abs _section_cstart, $3  }
0x47: {  	[dreg:$0x1] =	wrdreg $0xFFFFFFFF  }
0x48: {  	_ =	task.clear_ibuf [dreg:s23], $0x2FFFF;
	_ =	strace $0x9FFFFFFF  }
0x49: {  	(tm) =	ssettm $0x7FFFFFFF  }
tec
execute0_lowered:
.L_overlay_start_1:
0x0: {  	(tag) =	ssettag $0x1  }
0x1: {  	s2 =	rddreg [dreg:$0x0]  }
0x2: {  	s1 =	rddreg [dreg:$0x1]  }
0x3: {  	s0 =	rddreg [dreg:$0x2];
	_ =	strace $0x8000004D;
	s4 =	srdreg.scid  }
0x4: {  	s6 =	simm.s32 $0x2;
	s11 =	simm.s32 $0x0;
	p0 =	por $0x0, $0x0  }
.Ltmp0:
0x5: {  	s7 =	simm.s32 $0x1000;
	s12 =	simm.s32 $0x0;
	(pc) =	sbr.rel .LBB1_1-.Ltmp0, $4  }
0x6: {  	s9 =	simm.s32 $0x0;
	s3 =	sadd.s32 $0x801800, s1;
	s5 =	sshll.u32 s4, $0x4  }
0x7: {  	s1 =	stileid.u32;
	s4 =	simm.s32 $0x1;
	s5 =	sand.u32 $0x10, s5  }
0x8: {  	s8 =	simm.s32 $0x0;
	[sflag:s4] =	ssyncpa.u1 $0x0;
	s5 =	sor.u32 s1, s5  }
0x9: {  	[sflag:s6] =	ssyncpa.u1 $0x0;
	s6 =	simm.s32 $0x800;
	s10 =	smov.u32 s5  }
.LBB1_7:
0xa: {  	s13 =	sadd.s32 $0x10, s9  }
0xb: {  	s11 =	sadd.s32 $0x20, s10;
	s15 =	smov.u32 s10;
	p2 =	sgt.s32 s13, $0x1F  }
0xc: {  	p1 =	slt.u32 s8, $0x2;
	s15 =	smov.u32 @p2 s11  }
0xd: {  	s8 =	sadd.s32 $0x1, s8;
	s13 =	simm.s32 @p2 $0x0;
	p2 =	sgt.s32 s15, $0x3FF  }
0xe: {  	s15 =	smov.u32 @p2 s5;
	p2 =	sne.s32 s8, $0x42  }
.Ltmp1:
0xf: {  	_ = 	snop;
	(pc) =	sbr.rel @!p2 .LBB1_8-.Ltmp1, $4  }
0x10: {  	s14 =	simm.s32 @!p1 $0x2  }
0x11: {  	s12 =	smov.u32 s10;
	_ =	swait.ge @!p1 [sflag:s14], $0x4000  }
0x12: {  	p0 =	por !p0, !p0;
	s11 =	smov.u32 s9;
	[sflag:s14] =	ssyncset.done @!p1 $0x0  }
0x13: {  	s9 =	smov.u32 s13;
	[sflag:s14] =	ssyncadd.s32 @!p1 $0xFFFFC000;
	s10 =	smov.u32 s15  }
.LBB1_1:
0x14: {  	p1 =	sgt.u32 s8, $0x3F  }
0x15: {  	s13 =	sxor.u32 @!p1 $0xFFFFFFFF, s8;
	s14 =	sshll.u32 @!p1 s10, $0xC  }
0x16: {  	s15 =	sshll.u32 @!p1 s9, $0x7;
	s13 =	sshll.u32 @!p1 s13, $0xE;
	s14 =	sadd.s32 @!p1 s2, s14  }
0x17: {  	s13 =	sand.u32 @!p1 $0x4000, s13;
	s14 =	sadd.s32 @!p1 s15, s14;
	s15 =	simm.s32 @!p1 $0x0  }
0x18: {  	[tilespmem:s13], [sflag:$0x1] =	stream.linear.gather @!p1 [hbm4b:s14+s15], $0x4000, $0x38;
	[tilespmem:$0x10000] =	vst v63  }
0x19: {  	p1 =	seq.s32 s8, $0x0  }
0x1a: {  	p2 =	seq.s32 @!p1 s8, $0x41  }
0x1b: {  	p1 =	por p1, p2  }
.Ltmp2:
0x1c: {  	_ = 	snop;
	(pc) =	sbr.rel @p1 .LBB1_7-.Ltmp2, $1  }
0x1d: {  	_ =	sdelay $0x3  }
0x1e: {  	s13 =	simm.s32 $0x1;
	_ =	swait.ge [sflag:s4], $0x4000;
	s16 =	sshll.u32 s8, $0xE  }
0x1f: {  	s13 =	simm.s32 @!p0 $0x0;
	[sflag:s4] =	ssyncset.done $0x0;
	s31 =	sand.u32 $0x4000, s16  }
0x20: {  	s16 =	simm.s32 $0x0;
	s14 =	sshll.u32 s13, $0xE;
	[sflag:s4] =	ssyncadd.s32 $0xFFFFC000  }
0x21: {  	s13 =	sor.u32 $0x8040, s14;
	s15 =	sor.u32 $0x40, s14;
	s14 =	sor.u32 $0x8000, s31  }
.LBB1_3:
0x22: {  	v0 =	vmov s15;
	_ =	sdelay $0x3  }
0x23: {  	s18 =	simm.s32 $0x0  }
0x24: {  	v6 =	vld.idx.msk [tilespmem:v0+s18+$0x30 ss:$0x1], $0xffff  }
0x25: {  	v7 =	vld.idx.msk [tilespmem:v0+s18+$0xFFFFFFC0 ss:$0x1], $0xffff  }
0x26: {  	v5 =	vld.idx.msk [tilespmem:v0+s18+$0xFFFFFFD0 ss:$0x1], $0xffff  }
0x27: {  	v4 =	vld.idx.msk [tilespmem:v0+s18+$0xFFFFFFE0 ss:$0x1], $0xffff  }
0x28: {  	v3 =	vld.idx.msk [tilespmem:v0+s18+$0xFFFFFFF0 ss:$0x1], $0xffff  }
0x29: {  	v1 =	vld.idx.msk [tilespmem:v0+s18+$0x0 ss:$0x1], $0xffff  }
0x2a: {  	v2 =	vld.idx.msk [tilespmem:v0+s18+$0x10 ss:$0x1], $0xffff;
	[tilespmem:s13+$0x30] =	vst v6  }
0x2b: {  	s17 =	simm.s32 $0x80;
	s19 =	simm.s32 $0x400;
	[tilespmem:s13+$0xFFFFFFC0] =	vst v7;
	v6 =	vld.idx.msk [tilespmem:v0+s18+$0x20 ss:$0x1], $0xffff;
	s18 =	smov.u32 s13  }
.LBB1_4:
0x2c: {  	p1 =	sne.s32 s19, $0xE00;
	v7 =	vld.idx.msk [tilespmem:v0+s17+$0x30 ss:$0x1], $0xffff;
	[tilespmem:s18+$0xFFFFFFD0] =	vst v5  }
0x2d: {  	v8 =	vld.idx.msk [tilespmem:v0+s17+$0xFFFFFFC0 ss:$0x1], $0xffff;
	[tilespmem:s18+$0xFFFFFFE0] =	vst v4  }
0x2e: {  	v5 =	vld.idx.msk [tilespmem:v0+s17+$0xFFFFFFD0 ss:$0x1], $0xffff;
	[tilespmem:s18+$0xFFFFFFF0] =	vst v3  }
.Ltmp3:
0x2f: {  	v4 =	vld.idx.msk [tilespmem:v0+s17+$0xFFFFFFE0 ss:$0x1], $0xffff;
	[tilespmem:s18+$0x0] =	vst v1;
	(pc) =	sbr.rel @p1 .LBB1_4-.Ltmp3, $4  }
0x30: {  	v3 =	vld.idx.msk [tilespmem:v0+s17+$0xFFFFFFF0 ss:$0x1], $0xffff;
	[tilespmem:s18+$0x10] =	vst v2  }
0x31: {  	v1 =	vld.idx.msk [tilespmem:v0+s17+$0x0 ss:$0x1], $0xffff;
	[tilespmem:s18+$0x20] =	vst v6;
	s18 =	sadd.s32 $0x800, s18  }
0x32: {  	v2 =	vld.idx.msk [tilespmem:v0+s17+$0x10 ss:$0x1], $0xffff;
	[tilespmem:s18+$0x30] =	vst v7  }
0x33: {  	[tilespmem:s18+$0xFFFFFFC0] =	vst v8;
	v6 =	vld.idx.msk [tilespmem:v0+s17+$0x20 ss:$0x1], $0xffff;
	s17 =	sshra.s32 s19, $0x2;
	s19 =	sadd.s32 $0x200, s19  }
0x34: {  	_ =	sdelay $0x2  }
0x35: {  	[tilespmem:s18+$0xFFFFFFD0] =	vst v5  }
0x36: {  	v56 =	vld.idx.msk [tilespmem:v0+s17+$0x30 ss:$0x1], $0xffff;
	[tilespmem:s18+$0xFFFFFFE0] =	vst v4  }
0x37: {  	v57 =	vld.idx.msk [tilespmem:v0+s17+$0xFFFFFFC0 ss:$0x1], $0xffff;
	[tilespmem:s18+$0xFFFFFFF0] =	vst v3  }
0x38: {  	v58 =	vld.idx.msk [tilespmem:v0+s17+$0xFFFFFFD0 ss:$0x1], $0xffff;
	[tilespmem:s18+$0x0] =	vst v1  }
0x39: {  	v59 =	vld.idx.msk [tilespmem:v0+s17+$0xFFFFFFE0 ss:$0x1], $0xffff;
	[tilespmem:s18+$0x10] =	vst v2  }
0x3a: {  	v60 =	vld.idx.msk [tilespmem:v0+s17+$0xFFFFFFF0 ss:$0x1], $0xffff;
	s31 =	sadd.s32 $0x800, s18;
	[tilespmem:s18+$0x20] =	vst v6  }
0x3b: {  	v61 =	vld.idx.msk [tilespmem:v0+s17+$0x0 ss:$0x1], $0xffff;
	[tilespmem:s31+$0x30] =	vst v56  }
0x3c: {  	v62 =	vld.idx.msk [tilespmem:v0+s17+$0x10 ss:$0x1], $0xffff;
	s16 =	sadd.s32 $0x1, s16;
	[tilespmem:s31+$0xFFFFFFC0] =	vst v57  }
0x3d: {  	v63 =	vld.idx.msk [tilespmem:v0+s17+$0x20 ss:$0x1], $0xffff;
	p1 =	sne.s32 s16, $0x10;
	[tilespmem:s31+$0xFFFFFFD0] =	vst v58  }
.Ltmp4:
0x3e: {  	[tilespmem:s31+$0xFFFFFFE0] =	vst v59;
	(pc) =	sbr.rel @p1 .LBB1_3-.Ltmp4, $4  }
0x3f: {  	[tilespmem:s31+$0xFFFFFFF0] =	vst v60  }
0x40: {  	[tilespmem:s31+$0x0] =	vst v61  }
0x41: {  	[tilespmem:s31+$0x10] =	vst v62  }
0x42: {  	s13 =	sadd.s32 $0x80, s13;
	s15 =	sadd.s32 $0x400, s15;
	[tilespmem:s31+$0x20] =	vst v63  }
.Ltmp5:
0x43: {  	(pc) =	sbr.rel .LBB1_7-.Ltmp5, $4  }
0x44: {  	s12 =	sshll.u32 s12, $0xC;
	s11 =	sshll.u32 s11, $0x4  }
0x45: {  	s11 =	sand.u32 $0x1F0, s11;
	s12 =	sadd.s32 s3, s12  }
0x46: {  	s11 =	sadd.s32 s11, s12  }
0x47: {  	[hbm4b:s11+s6] =	stream.strided.scatter [tilespmem:s14], [sflag:$0x2], $0x4000, s7, s6, $0x38;
	[tilespmem:$0x10000] =	vst v63  }
.LBB1_8:
0x48: {  	_ =	sfence.sel $0x180000  }
0x49: {  	s2 =	simm.s32 $0x1;
	[bflag:$0x0] =	sbarrier.arrive $0xFFFF  }
0x4a: {  	s31 =	simm.s32 $0x2;
	[sflag:s2] =	ssyncpa.u1 $0x1  }
0x4b: {  	[sflag:s31] =	ssyncpa.u1 $0x1  }
0x4c: {  	p0 =	sne.s32 s1, $0x0;
	_ =	strace $0x9000004D  }
0x4d: {  	s0 =	sadd.s32 @!p0 $0x100000, s0;
	[bflag:$0x2] =	sbarrier.arrive $0xFFFF  }
0x4e: {  	[sflag:s0] =	ssyncadd.tile.s32 @!p0 $0x1;
	_ =	shalt  }
.Lfunc_end1:
_tile_overlayer_lowered:
.L_overlay_start_2:
0x4f: {  	(tag) =	ssettag $0x2  }
0x50: {  	s0 =	rddreg [dreg:$0x0];
	s2 =	stileid.u32  }
0x51: {  	s1 =	rddreg [dreg:$0x1];
	p0 =	sne.s32 s2, $0x0  }
0x52: {  	s3 =	rddreg [dreg:$0x2];
	[bflag:$0x3] =	sbarrier.arrive $0xFFFF;
	s2 =	simm.s32 @!p0 $0x1C01  }
0x53: {  	[timem:s3], [sflag:s2] =	dma.local @!p0 [hbm:s0], s1  }
0x54: {  	s0 =	simm.s32 @!p0 $0x1  }
0x55: {  	_ =	swait.ge @!p0 [sflag:s0], s1  }
0x56: {  	s1 =	ssub.s32 @!p0 $0x0, s1;
	[sflag:s0] =	ssyncset.done @!p0 $0x0  }
0x57: {  	[sflag:s0] =	ssyncadd.s32 @!p0 s1  }
0x58: {  	[bflag:$0x3] =	sbarrier.arrive $0xFFFF  }
0x59: {  	_ =	shalt  }

</sc_bundles>
